<compile_context>
chip_gen: v7x
topology: tpu7x:2x2x1
jax: 0.10.2.dev20260603
libtpu: 0.0.44.dev20260713+nightly
codegen_flags: <defaults>
</compile_context>

<pallas_src>
import functools

import jax
import jax.numpy as jnp
from jax import lax
from jax.experimental import pallas as pl
from jax.experimental.pallas import tpu as pltpu
from jax.experimental.pallas import tpu_sc as plsc

_GATHER = 128
_BC = 256
_NG = _BC // _GATHER
_TPAD = 261


@functools.lru_cache(maxsize=None)
def _build(batch: int, hist: int, vocab: int, dim: int):
    info = plsc.get_sparse_core_info()
    nw = info.num_cores * info.num_subcores
    blocks_per_t = batch // _BC
    nchunk = hist * blocks_per_t // nw
    npair = nchunk // 2
    ntc = dim // 8
    ntb = batch // 128
    mesh = plsc.VectorSubcoreMesh(core_axis_name="c", subcore_axis_name="s")

    @functools.partial(
        pl.kernel,
        mesh=mesh,
        compiler_params=pltpu.CompilerParams(
            use_tc_tiling_on_sc=False, needs_layout_passes=False),
        out_type=jax.ShapeDtypeStruct((hist, ntc, ntb, 8, 128), jnp.float32),
        scratch_types=[
            pltpu.VMEM((2, _BC), jnp.int32),
            pltpu.VMEM((_BC, dim), jnp.float32),
            pltpu.VMEM((_BC, dim), jnp.float32),
            pltpu.VMEM((ntc, 8, _TPAD), jnp.float32),
            pltpu.VMEM((ntc, 8, _TPAD), jnp.float32),
            pltpu.SemaphoreType.DMA,
            pltpu.SemaphoreType.DMA,
            pltpu.SemaphoreType.DMA,
            pltpu.SemaphoreType.DMA,
            pltpu.SemaphoreType.DMA,
            pltpu.SemaphoreType.DMA,
        ],
    )
    def emb(idxt_hbm, table_hbm, out_hbm, idx_v, rv0, rv1, rt0, rt1,
            si0, si1, sgA, sgB, sw0, sw1):
        wid = lax.axis_index("s") * info.num_cores + lax.axis_index("c")
        cid0 = wid * nchunk

        def t_of(c):
            return (cid0 + c) // blocks_per_t

        def b0_of(c):
            return ((cid0 + c) % blocks_per_t) * _BC

        def idx_start(c, b, sem):
            pltpu.async_copy(
                idxt_hbm.at[t_of(c), pl.ds(b0_of(c), _BC)], idx_v.at[b], sem)

        def idx_wait(b, sem):
            pltpu.make_async_copy(
                idxt_hbm.at[0, pl.ds(0, _BC)], idx_v.at[b], sem).wait()

        def gather_start(b, rv, sem):
            for g in range(_NG):
                pltpu.async_copy(
                    table_hbm.at[idx_v.at[b, pl.ds(g * _GATHER, _GATHER)]],
                    rv.at[pl.ds(g * _GATHER, _GATHER)],
                    sem,
                )

        def gather_wait(b, rv, sem):
            for g in range(_NG):
                pltpu.make_async_copy(
                    table_hbm.at[idx_v.at[b, pl.ds(g * _GATHER, _GATHER)]],
                    rv.at[pl.ds(g * _GATHER, _GATHER)],
                    sem,
                ).wait()

        def wo_start(c, rt, sem):
            for bj in range(_BC // 128):
                pltpu.async_copy(
                    rt.at[:, :, pl.ds(bj * 128, 128)],
                    out_hbm.at[t_of(c), :, b0_of(c) // 128 + bj],
                    sem,
                )

        def wo_wait(rt, sem):
            for bj in range(_BC // 128):
                pltpu.make_async_copy(
                    rt.at[:, :, pl.ds(bj * 128, 128)],
                    out_hbm.at[0, :, bj],
                    sem,
                ).wait()

        def transpose(rv, rt):
            lanes = lax.iota(jnp.int32, 16)
            civecs = [(lanes + g * 16) // 8 for g in range(dim // 16)]
            clvecs = [(lanes + g * 16) % 8 for g in range(dim // 16)]

            def tbody(bb, carry):
                for u in range(4):
                    b = bb * 4 + u
                    bvec = jnp.full((16,), b, jnp.int32)
                    for g in range(dim // 16):
                        val = rv[b, pl.ds(g * 16, 16)]
                        plsc.store_scatter(
                            rt, [civecs[g], clvecs[g], bvec], val)
                return carry

            lax.fori_loop(0, _BC // 4, tbody, None)

        idx_start(0, 0, si0)
        idx_start(1, 1, si1)
        idx_wait(0, si0)
        gather_start(0, rv0, sgA)

        def body(i, carry):
            j0 = i * 2

            idx_wait(1, si1)
            gather_wait(0, rv0, sgA)
            gather_start(1, rv1, sgB)

            @pl.when(j0 + 2 < nchunk)
            def _():
                idx_start(j0 + 2, 0, si0)

            @pl.when(i > 0)
            def _():
                wo_wait(rt0, sw0)

            transpose(rv0, rt0)
            wo_start(j0, rt0, sw0)

            gather_wait(1, rv1, sgB)

            @pl.when(j0 + 3 < nchunk)
            def _():
                idx_start(j0 + 3, 1, si1)

            @pl.when(j0 + 2 < nchunk)
            def _():
                idx_wait(0, si0)
                gather_start(0, rv0, sgA)

            @pl.when(i > 0)
            def _():
                wo_wait(rt1, sw1)

            transpose(rv1, rt1)
            wo_start(j0 + 1, rt1, sw1)
            return carry

        lax.fori_loop(0, npair, body, None)

        wo_wait(rt0, sw0)
        wo_wait(rt1, sw1)

    return emb


def kernel(inputs, table):
    batch, hist = inputs.shape
    vocab, dim = table.shape
    idx_t = inputs.T.astype(jnp.int32)
    o5 = _build(batch, hist, vocab, dim)(idx_t, table)
    return o5.transpose(2, 4, 0, 1, 3).reshape(batch, hist, dim)

# --- scband reference (transcript-rebuilt; emitter-appended) ---
"""Pipeline reference for scband-word-embedding-7748121002668 (READ-ONLY COPY).

The authoritative reference and input builder live on the scoring server;
editing this copy changes nothing except your own understanding.
"""

import jax, jax.numpy as jnp
import numpy as np

VOCAB_SIZE = 1000000
EMBEDDING_DIM = 64
BATCH = 4096
HIST_LEN = 200


def setup_inputs(seed: int = 0) -> dict:
    key = jax.random.key(seed)
    k_idx, k_tab = jax.random.split(key)
    inputs = jax.random.randint(k_idx, (BATCH, HIST_LEN), 0, VOCAB_SIZE, dtype=jnp.int64 if jax.config.read('jax_enable_x64') else jnp.int32)
    # Embedding table parameter (Keras Embedding default: uniform init)
    table = jax.random.uniform(k_tab, (VOCAB_SIZE, EMBEDDING_DIM), dtype=jnp.float32, minval=-0.05, maxval=0.05)
    return {"inputs": inputs, "table": table}


def reference(inputs, table):
    # WordEmbedding.call -> layers.Embedding lookup: out[b, t, :] = table[inputs[b, t], :]
    out = jnp.take(table, inputs, axis=0)
    return out

if __name__ == "__main__":
    import jax
    _d = setup_inputs()
    print(jax.jit(kernel)(*tuple(_d.values())))

</pallas_src>

<mosaic_0001>
#map = affine_map<(d0, d1) -> (0, 0)>
#map1 = affine_map<(d0, d1) -> (0, 0, 0, 0, 0)>
module attributes {stable_mosaic.version = 14 : i64} {
  func.func @emb(%arg0: i32, %arg1: i32, %arg2: memref<200x4096xi32, #tpu.memory_space<hbm>>, %arg3: memref<1000000x64xf32, #tpu.memory_space<hbm>>, %arg4: memref<200x8x32x8x128xf32, #tpu.memory_space<hbm>>, %arg5: memref<2x256xi32, #tpu.memory_space<vmem>>, %arg6: memref<256x64xf32, #tpu.memory_space<vmem>>, %arg7: memref<256x64xf32, #tpu.memory_space<vmem>>, %arg8: memref<8x8x261xf32, #tpu.memory_space<vmem>>, %arg9: memref<8x8x261xf32, #tpu.memory_space<vmem>>, %arg10: memref<!tpu.dma_semaphore, #tpu.memory_space<semaphore_mem>>, %arg11: memref<!tpu.dma_semaphore, #tpu.memory_space<semaphore_mem>>, %arg12: memref<!tpu.dma_semaphore, #tpu.memory_space<semaphore_mem>>, %arg13: memref<!tpu.dma_semaphore, #tpu.memory_space<semaphore_mem>>, %arg14: memref<!tpu.dma_semaphore, #tpu.memory_space<semaphore_mem>>, %arg15: memref<!tpu.dma_semaphore, #tpu.memory_space<semaphore_mem>>) attributes {dimension_semantics = [#tpu.dimension_semantics<core_parallel>, #tpu.dimension_semantics<subcore_parallel>], iteration_bounds = array<i64: 2, 16>, scalar_prefetch = 0 : i64, scratch_operands = 11 : i64, tpu.core_type = #tpu.core_type<sc_vector_subcore>, window_params = [{transform_indices = #map}, {transform_indices = #map}, {transform_indices = #map1}]} {
    %mul3A = arith.constant 2 : i32
    %mul3A_0 = arith.muli %arg1, %mul3A : i32
    %add3A = arith.addi %mul3A_0, %arg0 : i32
    %mul3A_1 = arith.constant 100 : i32
    %mul3A_2 = arith.muli %add3A, %mul3A_1 : i32
    %add3A_3 = arith.constant 0 : i32
    %add3A_4 = arith.addi %mul3A_2, %add3A_3 : i32
    %jit3A = arith.constant 16 : i32
    %div3A = arith.divsi %add3A_4, %jit3A : i32
    %sign3A = arith.constant 0 : i32
    %sign3A_5 = arith.cmpi sgt, %add3A_4, %sign3A : i32
    %sign3A_6 = arith.extui %sign3A_5 : i1 to i32
    %sign3A_7 = arith.constant 0 : i32
    %sign3A_8 = arith.cmpi slt, %add3A_4, %sign3A_7 : i32
    %sign3A_9 = arith.extui %sign3A_8 : i1 to i32
    %sign3A_10 = arith.subi %sign3A_6, %sign3A_9 : i32
    %sign3A_11 = arith.constant 0 : i32
    %sign3A_12 = arith.cmpi sgt, %jit3A, %sign3A_11 : i32
    %sign3A_13 = arith.extui %sign3A_12 : i1 to i32
    %sign3A_14 = arith.constant 0 : i32
    %sign3A_15 = arith.cmpi slt, %jit3A, %sign3A_14 : i32
    %sign3A_16 = arith.extui %sign3A_15 : i1 to i32
    %sign3A_17 = arith.subi %sign3A_13, %sign3A_16 : i32
    %ne3A = arith.cmpi ne, %sign3A_10, %sign3A_17 : i32
    %rem3A = arith.remsi %add3A_4, %jit3A : i32
    %ne3A_18 = arith.constant 0 : i32
    %ne3A_19 = arith.cmpi ne, %rem3A, %ne3A_18 : i32
    %and3A = arith.andi %ne3A, %ne3A_19 : i1
    %sub3A = arith.constant 1 : i32
    %sub3A_20 = arith.subi %div3A, %sub3A : i32
    %select_n3A = arith.select %and3A, %sub3A_20, %div3A : i32
    %add3A_21 = arith.constant 0 : i32
    %add3A_22 = arith.addi %mul3A_2, %add3A_21 : i32
    %jit3A_23 = arith.constant 16 : i32
    %eq3A = arith.constant 0 : i32
    %eq3A_24 = arith.cmpi eq, %jit3A_23, %eq3A : i32
    %jit3A_25 = arith.constant 1 : i32
    %select_n3A_26 = arith.select %eq3A_24, %jit3A_25, %jit3A_23 : i32
    %rem3A_27 = arith.remsi %add3A_22, %select_n3A_26 : i32
    %ne3A_28 = arith.constant 0 : i32
    %ne3A_29 = arith.cmpi ne, %rem3A_27, %ne3A_28 : i32
    %lt3A = arith.constant 0 : i32
    %lt3A_30 = arith.cmpi slt, %rem3A_27, %lt3A : i32
    %lt3A_31 = arith.constant 0 : i32
    %lt3A_32 = arith.cmpi slt, %select_n3A_26, %lt3A_31 : i32
    %ne3A_33 = arith.xori %lt3A_30, %lt3A_32 : i1
    %and3A_34 = arith.andi %ne3A_33, %ne3A_29 : i1
    %add3A_35 = arith.addi %rem3A_27, %select_n3A_26 : i32
    %select_n3A_36 = arith.select %and3A_34, %add3A_35, %rem3A_27 : i32
    %mul3A_37 = arith.constant 256 : i32
    %mul3A_38 = arith.muli %select_n3A_36, %mul3A_37 : i32
    %dma_start3A = arith.constant 0 : i32
    %dma_start3A_39 = arith.constant 0 : i32
    %dma_start3A_40 = tpu.memref_slice %arg5[%dma_start3A, %dma_start3A_39] : memref<2x256xi32, #tpu.memory_space<vmem>> -> memref<1x256xi32, #tpu.memory_space<vmem>>
    %dma_start3A_41 = tpu.memref_squeeze %dma_start3A_40 : memref<1x256xi32, #tpu.memory_space<vmem>> -> memref<256xi32, #tpu.memory_space<vmem>>
    %dma_start3A_42 = tpu.memref_slice %arg2[%select_n3A, %mul3A_38] : memref<200x4096xi32, #tpu.memory_space<hbm>> -> memref<1x256xi32, #tpu.memory_space<hbm>>
    %dma_start3A_43 = tpu.memref_squeeze %dma_start3A_42 : memref<1x256xi32, #tpu.memory_space<hbm>> -> memref<256xi32, #tpu.memory_space<hbm>>
    %dma_start3A_44 = arith.constant 0 : i32
    %dma_start3A_45 = tpu.memref_slice %arg5[%dma_start3A, %dma_start3A_44] : memref<2x256xi32, #tpu.memory_space<vmem>> -> memref<1x256xi32, #tpu.memory_space<vmem>>
    %dma_start3A_46 = tpu.memref_squeeze %dma_start3A_45 : memref<1x256xi32, #tpu.memory_space<vmem>> -> memref<256xi32, #tpu.memory_space<vmem>>
    %dma_start3A_47 = tpu.memref_slice %arg2[%select_n3A, %mul3A_38] : memref<200x4096xi32, #tpu.memory_space<hbm>> -> memref<1x256xi32, #tpu.memory_space<hbm>>
    %dma_start3A_48 = tpu.memref_squeeze %dma_start3A_47 : memref<1x256xi32, #tpu.memory_space<hbm>> -> memref<256xi32, #tpu.memory_space<hbm>>
    tpu.enqueue_dma source(%dma_start3A_48 : memref<256xi32, #tpu.memory_space<hbm>>) target(%dma_start3A_46 : memref<256xi32, #tpu.memory_space<vmem>>) target_semaphore(%arg10 : memref<!tpu.dma_semaphore, #tpu.memory_space<semaphore_mem>>)
    %add3A_49 = arith.constant 1 : i32
    %add3A_50 = arith.addi %mul3A_2, %add3A_49 : i32
    %jit3A_51 = arith.constant 16 : i32
    %div3A_52 = arith.divsi %add3A_50, %jit3A_51 : i32
    %sign3A_53 = arith.constant 0 : i32
    %sign3A_54 = arith.cmpi sgt, %add3A_50, %sign3A_53 : i32
    %sign3A_55 = arith.extui %sign3A_54 : i1 to i32
    %sign3A_56 = arith.constant 0 : i32
    %sign3A_57 = arith.cmpi slt, %add3A_50, %sign3A_56 : i32
    %sign3A_58 = arith.extui %sign3A_57 : i1 to i32
    %sign3A_59 = arith.subi %sign3A_55, %sign3A_58 : i32
    %sign3A_60 = arith.constant 0 : i32
    %sign3A_61 = arith.cmpi sgt, %jit3A_51, %sign3A_60 : i32
    %sign3A_62 = arith.extui %sign3A_61 : i1 to i32
    %sign3A_63 = arith.constant 0 : i32
    %sign3A_64 = arith.cmpi slt, %jit3A_51, %sign3A_63 : i32
    %sign3A_65 = arith.extui %sign3A_64 : i1 to i32
    %sign3A_66 = arith.subi %sign3A_62, %sign3A_65 : i32
    %ne3A_67 = arith.cmpi ne, %sign3A_59, %sign3A_66 : i32
    %rem3A_68 = arith.remsi %add3A_50, %jit3A_51 : i32
    %ne3A_69 = arith.constant 0 : i32
    %ne3A_70 = arith.cmpi ne, %rem3A_68, %ne3A_69 : i32
    %and3A_71 = arith.andi %ne3A_67, %ne3A_70 : i1
    %sub3A_72 = arith.constant 1 : i32
    %sub3A_73 = arith.subi %div3A_52, %sub3A_72 : i32
    %select_n3A_74 = arith.select %and3A_71, %sub3A_73, %div3A_52 : i32
    %add3A_75 = arith.constant 1 : i32
    %add3A_76 = arith.addi %mul3A_2, %add3A_75 : i32
    %jit3A_77 = arith.constant 16 : i32
    %eq3A_78 = arith.constant 0 : i32
    %eq3A_79 = arith.cmpi eq, %jit3A_77, %eq3A_78 : i32
    %jit3A_80 = arith.constant 1 : i32
    %select_n3A_81 = arith.select %eq3A_79, %jit3A_80, %jit3A_77 : i32
    %rem3A_82 = arith.remsi %add3A_76, %select_n3A_81 : i32
    %ne3A_83 = arith.constant 0 : i32
    %ne3A_84 = arith.cmpi ne, %rem3A_82, %ne3A_83 : i32
    %lt3A_85 = arith.constant 0 : i32
    %lt3A_86 = arith.cmpi slt, %rem3A_82, %lt3A_85 : i32
    %lt3A_87 = arith.constant 0 : i32
    %lt3A_88 = arith.cmpi slt, %select_n3A_81, %lt3A_87 : i32
    %ne3A_89 = arith.xori %lt3A_86, %lt3A_88 : i1
    %and3A_90 = arith.andi %ne3A_89, %ne3A_84 : i1
    %add3A_91 = arith.addi %rem3A_82, %select_n3A_81 : i32
    %select_n3A_92 = arith.select %and3A_90, %add3A_91, %rem3A_82 : i32
    %mul3A_93 = arith.constant 256 : i32
    %mul3A_94 = arith.muli %select_n3A_92, %mul3A_93 : i32
    %dma_start3A_95 = arith.constant 1 : i32
    %dma_start3A_96 = arith.constant 0 : i32
    %dma_start3A_97 = tpu.memref_slice %arg5[%dma_start3A_95, %dma_start3A_96] : memref<2x256xi32, #tpu.memory_space<vmem>> -> memref<1x256xi32, #tpu.memory_space<vmem>>
    %dma_start3A_98 = tpu.memref_squeeze %dma_start3A_97 : memref<1x256xi32, #tpu.memory_space<vmem>> -> memref<256xi32, #tpu.memory_space<vmem>>
    %dma_start3A_99 = tpu.memref_slice %arg2[%select_n3A_74, %mul3A_94] : memref<200x4096xi32, #tpu.memory_space<hbm>> -> memref<1x256xi32, #tpu.memory_space<hbm>>
    %dma_start3A_100 = tpu.memref_squeeze %dma_start3A_99 : memref<1x256xi32, #tpu.memory_space<hbm>> -> memref<256xi32, #tpu.memory_space<hbm>>
    %dma_start3A_101 = arith.constant 0 : i32
    %dma_start3A_102 = tpu.memref_slice %arg5[%dma_start3A_95, %dma_start3A_101] : memref<2x256xi32, #tpu.memory_space<vmem>> -> memref<1x256xi32, #tpu.memory_space<vmem>>
    %dma_start3A_103 = tpu.memref_squeeze %dma_start3A_102 : memref<1x256xi32, #tpu.memory_space<vmem>> -> memref<256xi32, #tpu.memory_space<vmem>>
    %dma_start3A_104 = tpu.memref_slice %arg2[%select_n3A_74, %mul3A_94] : memref<200x4096xi32, #tpu.memory_space<hbm>> -> memref<1x256xi32, #tpu.memory_space<hbm>>
    %dma_start3A_105 = tpu.memref_squeeze %dma_start3A_104 : memref<1x256xi32, #tpu.memory_space<hbm>> -> memref<256xi32, #tpu.memory_space<hbm>>
    tpu.enqueue_dma source(%dma_start3A_105 : memref<256xi32, #tpu.memory_space<hbm>>) target(%dma_start3A_103 : memref<256xi32, #tpu.memory_space<vmem>>) target_semaphore(%arg11 : memref<!tpu.dma_semaphore, #tpu.memory_space<semaphore_mem>>)
    %dma_wait3A = arith.constant 0 : i32
    %dma_wait3A_106 = arith.constant 0 : i32
    %dma_wait3A_107 = arith.constant 0 : i32
    %dma_wait3A_108 = tpu.memref_slice %arg5[%dma_wait3A_106, %dma_wait3A_107] : memref<2x256xi32, #tpu.memory_space<vmem>> -> memref<1x256xi32, #tpu.memory_space<vmem>>
    %dma_wait3A_109 = tpu.memref_squeeze %dma_wait3A_108 : memref<1x256xi32, #tpu.memory_space<vmem>> -> memref<256xi32, #tpu.memory_space<vmem>>
    %dma_wait3A_110 = arith.constant 0 : i32
    %dma_wait3A_111 = tpu.memref_slice %arg2[%dma_wait3A, %dma_wait3A_110] : memref<200x4096xi32, #tpu.memory_space<hbm>> -> memref<1x256xi32, #tpu.memory_space<hbm>>
    %dma_wait3A_112 = tpu.memref_squeeze %dma_wait3A_111 : memref<1x256xi32, #tpu.memory_space<hbm>> -> memref<256xi32, #tpu.memory_space<hbm>>
    %dma_wait3A_113 = arith.constant 0 : i32
    %dma_wait3A_114 = tpu.memref_slice %arg5[%dma_wait3A_106, %dma_wait3A_113] : memref<2x256xi32, #tpu.memory_space<vmem>> -> memref<1x256xi32, #tpu.memory_space<vmem>>
    %dma_wait3A_115 = tpu.memref_squeeze %dma_wait3A_114 : memref<1x256xi32, #tpu.memory_space<vmem>> -> memref<256xi32, #tpu.memory_space<vmem>>
    %dma_wait3A_116 = arith.constant 0 : i32
    %dma_wait3A_117 = tpu.memref_slice %arg2[%dma_wait3A, %dma_wait3A_116] : memref<200x4096xi32, #tpu.memory_space<hbm>> -> memref<1x256xi32, #tpu.memory_space<hbm>>
    %dma_wait3A_118 = tpu.memref_squeeze %dma_wait3A_117 : memref<1x256xi32, #tpu.memory_space<hbm>> -> memref<256xi32, #tpu.memory_space<hbm>>
    tpu.wait_dma2 semaphore(%arg10 : memref<!tpu.dma_semaphore, #tpu.memory_space<semaphore_mem>>) src(%dma_wait3A_118 : memref<256xi32, #tpu.memory_space<hbm>>) dst(%dma_wait3A_115 : memref<256xi32, #tpu.memory_space<vmem>>)
    %dma_start3A_119 = arith.constant 0 : i32
    %dma_start3A_120 = arith.constant 0 : i32
    %dma_start3A_121 = arith.constant 0 : i32
    %dma_start3A_122 = tpu.memref_slice %arg6[%dma_start3A_120, %dma_start3A_121] : memref<256x64xf32, #tpu.memory_space<vmem>> -> memref<128x64xf32, #tpu.memory_space<vmem>>
    %dma_start3A_123 = arith.constant 0 : i32
    %dma_start3A_124 = tpu.memref_slice %arg5[%dma_start3A_119, %dma_start3A_123] : memref<2x256xi32, #tpu.memory_space<vmem>> -> memref<1x128xi32, #tpu.memory_space<vmem>>
    %dma_start3A_125 = tpu.memref_squeeze %dma_start3A_124 : memref<1x128xi32, #tpu.memory_space<vmem>> -> memref<128xi32, #tpu.memory_space<vmem>>
    %dma_start3A_126 = arith.constant 0 : i32
    %dma_start3A_127 = arith.constant 0 : i32
    %dma_start3A_128 = tpu.memref_slice %arg3[%dma_start3A_126, %dma_start3A_127] : memref<1000000x64xf32, #tpu.memory_space<hbm>> -> memref<1000000x64xf32, #tpu.memory_space<hbm>>
    tpu.enqueue_indirect_dma source(%dma_start3A_128 : memref<1000000x64xf32, #tpu.memory_space<hbm>>) target(%dma_start3A_122 : memref<128x64xf32, #tpu.memory_space<vmem>>) offsets(%dma_start3A_125 : memref<128xi32, #tpu.memory_space<vmem>>) semaphore(%arg12 : memref<!tpu.dma_semaphore, #tpu.memory_space<semaphore_mem>>)
    %dma_start3A_129 = arith.constant 0 : i32
    %dma_start3A_130 = arith.constant 128 : i32
    %dma_start3A_131 = arith.constant 0 : i32
    %dma_start3A_132 = tpu.memref_slice %arg6[%dma_start3A_130, %dma_start3A_131] : memref<256x64xf32, #tpu.memory_space<vmem>> -> memref<128x64xf32, #tpu.memory_space<vmem>>
    %dma_start3A_133 = arith.constant 128 : i32
    %dma_start3A_134 = tpu.memref_slice %arg5[%dma_start3A_129, %dma_start3A_133] : memref<2x256xi32, #tpu.memory_space<vmem>> -> memref<1x128xi32, #tpu.memory_space<vmem>>
    %dma_start3A_135 = tpu.memref_squeeze %dma_start3A_134 : memref<1x128xi32, #tpu.memory_space<vmem>> -> memref<128xi32, #tpu.memory_space<vmem>>
    %dma_start3A_136 = arith.constant 0 : i32
    %dma_start3A_137 = arith.constant 0 : i32
    %dma_start3A_138 = tpu.memref_slice %arg3[%dma_start3A_136, %dma_start3A_137] : memref<1000000x64xf32, #tpu.memory_space<hbm>> -> memref<1000000x64xf32, #tpu.memory_space<hbm>>
    tpu.enqueue_indirect_dma source(%dma_start3A_138 : memref<1000000x64xf32, #tpu.memory_space<hbm>>) target(%dma_start3A_132 : memref<128x64xf32, #tpu.memory_space<vmem>>) offsets(%dma_start3A_135 : memref<128xi32, #tpu.memory_space<vmem>>) semaphore(%arg12 : memref<!tpu.dma_semaphore, #tpu.memory_space<semaphore_mem>>)
    %scan3A = arith.constant 0 : i32
    %scan3A_139 = arith.constant 50 : i32
    %scan3A_140 = arith.addi %scan3A, %scan3A_139 : i32
    %scan3A_141 = arith.constant 1 : i32
    scf.for %scan3A_223 = %scan3A to %scan3A_140 step %scan3A_141  : i32 {
      %mul3A_224 = arith.constant 2 : i32
      %mul3A_225 = arith.muli %scan3A_223, %mul3A_224 : i32
      %dma_wait3A_226 = arith.constant 0 : i32
      %dma_wait3A_227 = arith.constant 1 : i32
      %dma_wait3A_228 = arith.constant 0 : i32
      %dma_wait3A_229 = tpu.memref_slice %arg5[%dma_wait3A_227, %dma_wait3A_228] : memref<2x256xi32, #tpu.memory_space<vmem>> -> memref<1x256xi32, #tpu.memory_space<vmem>>
      %dma_wait3A_230 = tpu.memref_squeeze %dma_wait3A_229 : memref<1x256xi32, #tpu.memory_space<vmem>> -> memref<256xi32, #tpu.memory_space<vmem>>
      %dma_wait3A_231 = arith.constant 0 : i32
      %dma_wait3A_232 = tpu.memref_slice %arg2[%dma_wait3A_226, %dma_wait3A_231] : memref<200x4096xi32, #tpu.memory_space<hbm>> -> memref<1x256xi32, #tpu.memory_space<hbm>>
      %dma_wait3A_233 = tpu.memref_squeeze %dma_wait3A_232 : memref<1x256xi32, #tpu.memory_space<hbm>> -> memref<256xi32, #tpu.memory_space<hbm>>
      %dma_wait3A_234 = arith.constant 0 : i32
      %dma_wait3A_235 = tpu.memref_slice %arg5[%dma_wait3A_227, %dma_wait3A_234] : memref<2x256xi32, #tpu.memory_space<vmem>> -> memref<1x256xi32, #tpu.memory_space<vmem>>
      %dma_wait3A_236 = tpu.memref_squeeze %dma_wait3A_235 : memref<1x256xi32, #tpu.memory_space<vmem>> -> memref<256xi32, #tpu.memory_space<vmem>>
      %dma_wait3A_237 = arith.constant 0 : i32
      %dma_wait3A_238 = tpu.memref_slice %arg2[%dma_wait3A_226, %dma_wait3A_237] : memref<200x4096xi32, #tpu.memory_space<hbm>> -> memref<1x256xi32, #tpu.memory_space<hbm>>
      %dma_wait3A_239 = tpu.memref_squeeze %dma_wait3A_238 : memref<1x256xi32, #tpu.memory_space<hbm>> -> memref<256xi32, #tpu.memory_space<hbm>>
      tpu.wait_dma2 semaphore(%arg11 : memref<!tpu.dma_semaphore, #tpu.memory_space<semaphore_mem>>) src(%dma_wait3A_239 : memref<256xi32, #tpu.memory_space<hbm>>) dst(%dma_wait3A_236 : memref<256xi32, #tpu.memory_space<vmem>>)
      %dma_wait3A_240 = arith.constant 0 : i32
      %dma_wait3A_241 = arith.constant 0 : i32
      %dma_wait3A_242 = arith.constant 0 : i32
      %dma_wait3A_243 = tpu.memref_slice %arg6[%dma_wait3A_241, %dma_wait3A_242] : memref<256x64xf32, #tpu.memory_space<vmem>> -> memref<128x64xf32, #tpu.memory_space<vmem>>
      %dma_wait3A_244 = arith.constant 0 : i32
      %dma_wait3A_245 = tpu.memref_slice %arg5[%dma_wait3A_240, %dma_wait3A_244] : memref<2x256xi32, #tpu.memory_space<vmem>> -> memref<1x128xi32, #tpu.memory_space<vmem>>
      %dma_wait3A_246 = tpu.memref_squeeze %dma_wait3A_245 : memref<1x128xi32, #tpu.memory_space<vmem>> -> memref<128xi32, #tpu.memory_space<vmem>>
      %dma_wait3A_247 = arith.constant 0 : i32
      %dma_wait3A_248 = arith.constant 0 : i32
      %dma_wait3A_249 = tpu.memref_slice %arg3[%dma_wait3A_247, %dma_wait3A_248] : memref<1000000x64xf32, #tpu.memory_space<hbm>> -> memref<1000000x64xf32, #tpu.memory_space<hbm>>
      tpu.wait_indirect_dma semaphore(%arg12 : memref<!tpu.dma_semaphore, #tpu.memory_space<semaphore_mem>>) src(%dma_wait3A_249 : memref<1000000x64xf32, #tpu.memory_space<hbm>>) dst(%dma_wait3A_243 : memref<128x64xf32, #tpu.memory_space<vmem>>)
      %dma_wait3A_250 = arith.constant 0 : i32
      %dma_wait3A_251 = arith.constant 128 : i32
      %dma_wait3A_252 = arith.constant 0 : i32
      %dma_wait3A_253 = tpu.memref_slice %arg6[%dma_wait3A_251, %dma_wait3A_252] : memref<256x64xf32, #tpu.memory_space<vmem>> -> memref<128x64xf32, #tpu.memory_space<vmem>>
      %dma_wait3A_254 = arith.constant 128 : i32
      %dma_wait3A_255 = tpu.memref_slice %arg5[%dma_wait3A_250, %dma_wait3A_254] : memref<2x256xi32, #tpu.memory_space<vmem>> -> memref<1x128xi32, #tpu.memory_space<vmem>>
      %dma_wait3A_256 = tpu.memref_squeeze %dma_wait3A_255 : memref<1x128xi32, #tpu.memory_space<vmem>> -> memref<128xi32, #tpu.memory_space<vmem>>
      %dma_wait3A_257 = arith.constant 0 : i32
      %dma_wait3A_258 = arith.constant 0 : i32
      %dma_wait3A_259 = tpu.memref_slice %arg3[%dma_wait3A_257, %dma_wait3A_258] : memref<1000000x64xf32, #tpu.memory_space<hbm>> -> memref<1000000x64xf32, #tpu.memory_space<hbm>>
      tpu.wait_indirect_dma semaphore(%arg12 : memref<!tpu.dma_semaphore, #tpu.memory_space<semaphore_mem>>) src(%dma_wait3A_259 : memref<1000000x64xf32, #tpu.memory_space<hbm>>) dst(%dma_wait3A_253 : memref<128x64xf32, #tpu.memory_space<vmem>>)
      %dma_start3A_260 = arith.constant 1 : i32
      %dma_start3A_261 = arith.constant 0 : i32
      %dma_start3A_262 = arith.constant 0 : i32
      %dma_start3A_263 = tpu.memref_slice %arg7[%dma_start3A_261, %dma_start3A_262] : memref<256x64xf32, #tpu.memory_space<vmem>> -> memref<128x64xf32, #tpu.memory_space<vmem>>
      %dma_start3A_264 = arith.constant 0 : i32
      %dma_start3A_265 = tpu.memref_slice %arg5[%dma_start3A_260, %dma_start3A_264] : memref<2x256xi32, #tpu.memory_space<vmem>> -> memref<1x128xi32, #tpu.memory_space<vmem>>
      %dma_start3A_266 = tpu.memref_squeeze %dma_start3A_265 : memref<1x128xi32, #tpu.memory_space<vmem>> -> memref<128xi32, #tpu.memory_space<vmem>>
      %dma_start3A_267 = arith.constant 0 : i32
      %dma_start3A_268 = arith.constant 0 : i32
      %dma_start3A_269 = tpu.memref_slice %arg3[%dma_start3A_267, %dma_start3A_268] : memref<1000000x64xf32, #tpu.memory_space<hbm>> -> memref<1000000x64xf32, #tpu.memory_space<hbm>>
      tpu.enqueue_indirect_dma source(%dma_start3A_269 : memref<1000000x64xf32, #tpu.memory_space<hbm>>) target(%dma_start3A_263 : memref<128x64xf32, #tpu.memory_space<vmem>>) offsets(%dma_start3A_266 : memref<128xi32, #tpu.memory_space<vmem>>) semaphore(%arg13 : memref<!tpu.dma_semaphore, #tpu.memory_space<semaphore_mem>>)
      %dma_start3A_270 = arith.constant 1 : i32
      %dma_start3A_271 = arith.constant 128 : i32
      %dma_start3A_272 = arith.constant 0 : i32
      %dma_start3A_273 = tpu.memref_slice %arg7[%dma_start3A_271, %dma_start3A_272] : memref<256x64xf32, #tpu.memory_space<vmem>> -> memref<128x64xf32, #tpu.memory_space<vmem>>
      %dma_start3A_274 = arith.constant 128 : i32
      %dma_start3A_275 = tpu.memref_slice %arg5[%dma_start3A_270, %dma_start3A_274] : memref<2x256xi32, #tpu.memory_space<vmem>> -> memref<1x128xi32, #tpu.memory_space<vmem>>
      %dma_start3A_276 = tpu.memref_squeeze %dma_start3A_275 : memref<1x128xi32, #tpu.memory_space<vmem>> -> memref<128xi32, #tpu.memory_space<vmem>>
      %dma_start3A_277 = arith.constant 0 : i32
      %dma_start3A_278 = arith.constant 0 : i32
      %dma_start3A_279 = tpu.memref_slice %arg3[%dma_start3A_277, %dma_start3A_278] : memref<1000000x64xf32, #tpu.memory_space<hbm>> -> memref<1000000x64xf32, #tpu.memory_space<hbm>>
      tpu.enqueue_indirect_dma source(%dma_start3A_279 : memref<1000000x64xf32, #tpu.memory_space<hbm>>) target(%dma_start3A_273 : memref<128x64xf32, #tpu.memory_space<vmem>>) offsets(%dma_start3A_276 : memref<128xi32, #tpu.memory_space<vmem>>) semaphore(%arg13 : memref<!tpu.dma_semaphore, #tpu.memory_space<semaphore_mem>>)
      %add3A_280 = arith.constant 2 : i32
      %add3A_281 = arith.addi %mul3A_225, %add3A_280 : i32
      %lt3A_282 = arith.constant 100 : i32
      %lt3A_283 = arith.cmpi slt, %add3A_281, %lt3A_282 : i32
      %convert_element_type3A = arith.extui %lt3A_283 : i1 to i32
      %cond3A = arith.constant 0 : i32
      %cond3A_284 = arith.cmpi ne, %convert_element_type3A, %cond3A : i32
      scf.if %cond3A_284 {
        %add3A_1165 = arith.constant 2 : i32
        %add3A_1166 = arith.addi %mul3A_225, %add3A_1165 : i32
        %add3A_1167 = arith.addi %mul3A_2, %add3A_1166 : i32
        %jit3A_1168 = arith.constant 16 : i32
        %div3A_1169 = arith.divsi %add3A_1167, %jit3A_1168 : i32
        %sign3A_1170 = arith.constant 0 : i32
        %sign3A_1171 = arith.cmpi sgt, %add3A_1167, %sign3A_1170 : i32
        %sign3A_1172 = arith.extui %sign3A_1171 : i1 to i32
        %sign3A_1173 = arith.constant 0 : i32
        %sign3A_1174 = arith.cmpi slt, %add3A_1167, %sign3A_1173 : i32
        %sign3A_1175 = arith.extui %sign3A_1174 : i1 to i32
        %sign3A_1176 = arith.subi %sign3A_1172, %sign3A_1175 : i32
        %sign3A_1177 = arith.constant 0 : i32
        %sign3A_1178 = arith.cmpi sgt, %jit3A_1168, %sign3A_1177 : i32
        %sign3A_1179 = arith.extui %sign3A_1178 : i1 to i32
        %sign3A_1180 = arith.constant 0 : i32
        %sign3A_1181 = arith.cmpi slt, %jit3A_1168, %sign3A_1180 : i32
        %sign3A_1182 = arith.extui %sign3A_1181 : i1 to i32
        %sign3A_1183 = arith.subi %sign3A_1179, %sign3A_1182 : i32
        %ne3A_1184 = arith.cmpi ne, %sign3A_1176, %sign3A_1183 : i32
        %rem3A_1185 = arith.remsi %add3A_1167, %jit3A_1168 : i32
        %ne3A_1186 = arith.constant 0 : i32
        %ne3A_1187 = arith.cmpi ne, %rem3A_1185, %ne3A_1186 : i32
        %and3A_1188 = arith.andi %ne3A_1184, %ne3A_1187 : i1
        %sub3A_1189 = arith.constant 1 : i32
        %sub3A_1190 = arith.subi %div3A_1169, %sub3A_1189 : i32
        %select_n3A_1191 = arith.select %and3A_1188, %sub3A_1190, %div3A_1169 : i32
        %add3A_1192 = arith.addi %mul3A_2, %add3A_1166 : i32
        %jit3A_1193 = arith.constant 16 : i32
        %eq3A_1194 = arith.constant 0 : i32
        %eq3A_1195 = arith.cmpi eq, %jit3A_1193, %eq3A_1194 : i32
        %jit3A_1196 = arith.constant 1 : i32
        %select_n3A_1197 = arith.select %eq3A_1195, %jit3A_1196, %jit3A_1193 : i32
        %rem3A_1198 = arith.remsi %add3A_1192, %select_n3A_1197 : i32
        %ne3A_1199 = arith.constant 0 : i32
        %ne3A_1200 = arith.cmpi ne, %rem3A_1198, %ne3A_1199 : i32
        %lt3A_1201 = arith.constant 0 : i32
        %lt3A_1202 = arith.cmpi slt, %rem3A_1198, %lt3A_1201 : i32
        %lt3A_1203 = arith.constant 0 : i32
        %lt3A_1204 = arith.cmpi slt, %select_n3A_1197, %lt3A_1203 : i32
        %ne3A_1205 = arith.xori %lt3A_1202, %lt3A_1204 : i1
        %and3A_1206 = arith.andi %ne3A_1205, %ne3A_1200 : i1
        %add3A_1207 = arith.addi %rem3A_1198, %select_n3A_1197 : i32
        %select_n3A_1208 = arith.select %and3A_1206, %add3A_1207, %rem3A_1198 : i32
        %mul3A_1209 = arith.constant 256 : i32
        %mul3A_1210 = arith.muli %select_n3A_1208, %mul3A_1209 : i32
        %dma_start3A_1211 = arith.constant 0 : i32
        %dma_start3A_1212 = arith.constant 0 : i32
        %dma_start3A_1213 = tpu.memref_slice %arg5[%dma_start3A_1211, %dma_start3A_1212] : memref<2x256xi32, #tpu.memory_space<vmem>> -> memref<1x256xi32, #tpu.memory_space<vmem>>
        %dma_start3A_1214 = tpu.memref_squeeze %dma_start3A_1213 : memref<1x256xi32, #tpu.memory_space<vmem>> -> memref<256xi32, #tpu.memory_space<vmem>>
        %dma_start3A_1215 = tpu.memref_slice %arg2[%select_n3A_1191, %mul3A_1210] : memref<200x4096xi32, #tpu.memory_space<hbm>> -> memref<1x256xi32, #tpu.memory_space<hbm>>
        %dma_start3A_1216 = tpu.memref_squeeze %dma_start3A_1215 : memref<1x256xi32, #tpu.memory_space<hbm>> -> memref<256xi32, #tpu.memory_space<hbm>>
        %dma_start3A_1217 = arith.constant 0 : i32
        %dma_start3A_1218 = tpu.memref_slice %arg5[%dma_start3A_1211, %dma_start3A_1217] : memref<2x256xi32, #tpu.memory_space<vmem>> -> memref<1x256xi32, #tpu.memory_space<vmem>>
        %dma_start3A_1219 = tpu.memref_squeeze %dma_start3A_1218 : memref<1x256xi32, #tpu.memory_space<vmem>> -> memref<256xi32, #tpu.memory_space<vmem>>
        %dma_start3A_1220 = tpu.memref_slice %arg2[%select_n3A_1191, %mul3A_1210] : memref<200x4096xi32, #tpu.memory_space<hbm>> -> memref<1x256xi32, #tpu.memory_space<hbm>>
        %dma_start3A_1221 = tpu.memref_squeeze %dma_start3A_1220 : memref<1x256xi32, #tpu.memory_space<hbm>> -> memref<256xi32, #tpu.memory_space<hbm>>
        tpu.enqueue_dma source(%dma_start3A_1221 : memref<256xi32, #tpu.memory_space<hbm>>) target(%dma_start3A_1219 : memref<256xi32, #tpu.memory_space<vmem>>) target_semaphore(%arg10 : memref<!tpu.dma_semaphore, #tpu.memory_space<semaphore_mem>>)
      } else {
      }
      %gt3A = arith.constant 0 : i32
      %gt3A_285 = arith.cmpi sgt, %scan3A_223, %gt3A : i32
      %convert_element_type3A_286 = arith.extui %gt3A_285 : i1 to i32
      %cond3A_287 = arith.constant 0 : i32
      %cond3A_288 = arith.cmpi ne, %convert_element_type3A_286, %cond3A_287 : i32
      scf.if %cond3A_288 {
        %dma_wait3A_1165 = arith.constant 0 : i32
        %dma_wait3A_1166 = arith.constant 0 : i32
        %dma_wait3A_1167 = arith.constant 0 : i32
        %dma_wait3A_1168 = arith.constant 0 : i32
        %dma_wait3A_1169 = arith.constant 0 : i32
        %dma_wait3A_1170 = tpu.memref_slice %arg8[%dma_wait3A_1167, %dma_wait3A_1168, %dma_wait3A_1169] : memref<8x8x261xf32, #tpu.memory_space<vmem>> -> memref<8x8x128xf32, #tpu.memory_space<vmem>>
        %dma_wait3A_1171 = arith.constant 0 : i32
        %dma_wait3A_1172 = arith.constant 0 : i32
        %dma_wait3A_1173 = arith.constant 0 : i32
        %dma_wait3A_1174 = tpu.memref_slice %arg4[%dma_wait3A_1165, %dma_wait3A_1171, %dma_wait3A_1166, %dma_wait3A_1172, %dma_wait3A_1173] : memref<200x8x32x8x128xf32, #tpu.memory_space<hbm>> -> memref<1x8x1x8x128xf32, #tpu.memory_space<hbm>>
        %dma_wait3A_1175 = tpu.memref_squeeze %dma_wait3A_1174 : memref<1x8x1x8x128xf32, #tpu.memory_space<hbm>> -> memref<8x8x128xf32, #tpu.memory_space<hbm>>
        %dma_wait3A_1176 = arith.constant 0 : i32
        %dma_wait3A_1177 = arith.constant 0 : i32
        %dma_wait3A_1178 = arith.constant 0 : i32
        %dma_wait3A_1179 = tpu.memref_slice %arg4[%dma_wait3A_1165, %dma_wait3A_1176, %dma_wait3A_1166, %dma_wait3A_1177, %dma_wait3A_1178] : memref<200x8x32x8x128xf32, #tpu.memory_space<hbm>> -> memref<1x8x1x8x128xf32, #tpu.memory_space<hbm>>
        %dma_wait3A_1180 = tpu.memref_squeeze %dma_wait3A_1179 : memref<1x8x1x8x128xf32, #tpu.memory_space<hbm>> -> memref<8x8x128xf32, #tpu.memory_space<hbm>>
        %dma_wait3A_1181 = arith.constant 0 : i32
        %dma_wait3A_1182 = arith.constant 0 : i32
        %dma_wait3A_1183 = arith.constant 0 : i32
        %dma_wait3A_1184 = tpu.memref_slice %arg8[%dma_wait3A_1181, %dma_wait3A_1182, %dma_wait3A_1183] : memref<8x8x261xf32, #tpu.memory_space<vmem>> -> memref<8x8x128xf32, #tpu.memory_space<vmem>>
        tpu.wait_dma2 semaphore(%arg14 : memref<!tpu.dma_semaphore, #tpu.memory_space<semaphore_mem>>) src(%dma_wait3A_1184 : memref<8x8x128xf32, #tpu.memory_space<vmem>>) dst(%dma_wait3A_1180 : memref<8x8x128xf32, #tpu.memory_space<hbm>>)
        %dma_wait3A_1185 = arith.constant 0 : i32
        %dma_wait3A_1186 = arith.constant 1 : i32
        %dma_wait3A_1187 = arith.constant 0 : i32
        %dma_wait3A_1188 = arith.constant 0 : i32
        %dma_wait3A_1189 = arith.constant 128 : i32
        %dma_wait3A_1190 = tpu.memref_slice %arg8[%dma_wait3A_1187, %dma_wait3A_1188, %dma_wait3A_1189] : memref<8x8x261xf32, #tpu.memory_space<vmem>> -> memref<8x8x128xf32, #tpu.memory_space<vmem>>
        %dma_wait3A_1191 = arith.constant 0 : i32
        %dma_wait3A_1192 = arith.constant 0 : i32
        %dma_wait3A_1193 = arith.constant 0 : i32
        %dma_wait3A_1194 = tpu.memref_slice %arg4[%dma_wait3A_1185, %dma_wait3A_1191, %dma_wait3A_1186, %dma_wait3A_1192, %dma_wait3A_1193] : memref<200x8x32x8x128xf32, #tpu.memory_space<hbm>> -> memref<1x8x1x8x128xf32, #tpu.memory_space<hbm>>
        %dma_wait3A_1195 = tpu.memref_squeeze %dma_wait3A_1194 : memref<1x8x1x8x128xf32, #tpu.memory_space<hbm>> -> memref<8x8x128xf32, #tpu.memory_space<hbm>>
        %dma_wait3A_1196 = arith.constant 0 : i32
        %dma_wait3A_1197 = arith.constant 0 : i32
        %dma_wait3A_1198 = arith.constant 0 : i32
        %dma_wait3A_1199 = tpu.memref_slice %arg4[%dma_wait3A_1185, %dma_wait3A_1196, %dma_wait3A_1186, %dma_wait3A_1197, %dma_wait3A_1198] : memref<200x8x32x8x128xf32, #tpu.memory_space<hbm>> -> memref<1x8x1x8x128xf32, #tpu.memory_space<hbm>>
        %dma_wait3A_1200 = tpu.memref_squeeze %dma_wait3A_1199 : memref<1x8x1x8x128xf32, #tpu.memory_space<hbm>> -> memref<8x8x128xf32, #tpu.memory_space<hbm>>
        %dma_wait3A_1201 = arith.constant 0 : i32
        %dma_wait3A_1202 = arith.constant 0 : i32
        %dma_wait3A_1203 = arith.constant 128 : i32
        %dma_wait3A_1204 = tpu.memref_slice %arg8[%dma_wait3A_1201, %dma_wait3A_1202, %dma_wait3A_1203] : memref<8x8x261xf32, #tpu.memory_space<vmem>> -> memref<8x8x128xf32, #tpu.memory_space<vmem>>
        tpu.wait_dma2 semaphore(%arg14 : memref<!tpu.dma_semaphore, #tpu.memory_space<semaphore_mem>>) src(%dma_wait3A_1204 : memref<8x8x128xf32, #tpu.memory_space<vmem>>) dst(%dma_wait3A_1200 : memref<8x8x128xf32, #tpu.memory_space<hbm>>)
      } else {
      }
      %iota3A = tpu.iota {dimensions = array<i32: 0>} : vector<16xi32>
      %add3A_289 = arith.constant 0 : i32
      %add3A_290 = vector.broadcast %add3A_289 : i32 to vector<16xi32>
      %add3A_291 = arith.addi %iota3A, %add3A_290 : vector<16xi32>
      %jit3A_292 = arith.constant 8 : i32
      %div3A_293 = vector.broadcast %jit3A_292 : i32 to vector<16xi32>
      %div3A_294 = arith.divsi %add3A_291, %div3A_293 : vector<16xi32>
      %sign3A_295 = arith.constant 0 : i32
      %sign3A_296 = vector.broadcast %sign3A_295 : i32 to vector<16xi32>
      %sign3A_297 = arith.cmpi sgt, %add3A_291, %sign3A_296 : vector<16xi32>
      %sign3A_298 = arith.extui %sign3A_297 : vector<16xi1> to vector<16xi32>
      %sign3A_299 = arith.constant 0 : i32
      %sign3A_300 = vector.broadcast %sign3A_299 : i32 to vector<16xi32>
      %sign3A_301 = arith.cmpi slt, %add3A_291, %sign3A_300 : vector<16xi32>
      %sign3A_302 = arith.extui %sign3A_301 : vector<16xi1> to vector<16xi32>
      %sign3A_303 = arith.subi %sign3A_298, %sign3A_302 : vector<16xi32>
      %sign3A_304 = arith.constant 0 : i32
      %sign3A_305 = arith.cmpi sgt, %jit3A_292, %sign3A_304 : i32
      %sign3A_306 = arith.extui %sign3A_305 : i1 to i32
      %sign3A_307 = arith.constant 0 : i32
      %sign3A_308 = arith.cmpi slt, %jit3A_292, %sign3A_307 : i32
      %sign3A_309 = arith.extui %sign3A_308 : i1 to i32
      %sign3A_310 = arith.subi %sign3A_306, %sign3A_309 : i32
      %ne3A_311 = vector.broadcast %sign3A_310 : i32 to vector<16xi32>
      %ne3A_312 = arith.cmpi ne, %sign3A_303, %ne3A_311 : vector<16xi32>
      %rem3A_313 = vector.broadcast %jit3A_292 : i32 to vector<16xi32>
      %rem3A_314 = arith.remsi %add3A_291, %rem3A_313 : vector<16xi32>
      %ne3A_315 = arith.constant 0 : i32
      %ne3A_316 = vector.broadcast %ne3A_315 : i32 to vector<16xi32>
      %ne3A_317 = arith.cmpi ne, %rem3A_314, %ne3A_316 : vector<16xi32>
      %and3A_318 = arith.andi %ne3A_312, %ne3A_317 : vector<16xi1>
      %sub3A_319 = arith.constant 1 : i32
      %sub3A_320 = vector.broadcast %sub3A_319 : i32 to vector<16xi32>
      %sub3A_321 = arith.subi %div3A_294, %sub3A_320 : vector<16xi32>
      %select_n3A_322 = arith.select %and3A_318, %sub3A_321, %div3A_294 : vector<16xi1>, vector<16xi32>
      %add3A_323 = arith.constant 16 : i32
      %add3A_324 = vector.broadcast %add3A_323 : i32 to vector<16xi32>
      %add3A_325 = arith.addi %iota3A, %add3A_324 : vector<16xi32>
      %jit3A_326 = arith.constant 8 : i32
      %div3A_327 = vector.broadcast %jit3A_326 : i32 to vector<16xi32>
      %div3A_328 = arith.divsi %add3A_325, %div3A_327 : vector<16xi32>
      %sign3A_329 = arith.constant 0 : i32
      %sign3A_330 = vector.broadcast %sign3A_329 : i32 to vector<16xi32>
      %sign3A_331 = arith.cmpi sgt, %add3A_325, %sign3A_330 : vector<16xi32>
      %sign3A_332 = arith.extui %sign3A_331 : vector<16xi1> to vector<16xi32>
      %sign3A_333 = arith.constant 0 : i32
      %sign3A_334 = vector.broadcast %sign3A_333 : i32 to vector<16xi32>
      %sign3A_335 = arith.cmpi slt, %add3A_325, %sign3A_334 : vector<16xi32>
      %sign3A_336 = arith.extui %sign3A_335 : vector<16xi1> to vector<16xi32>
      %sign3A_337 = arith.subi %sign3A_332, %sign3A_336 : vector<16xi32>
      %sign3A_338 = arith.constant 0 : i32
      %sign3A_339 = arith.cmpi sgt, %jit3A_326, %sign3A_338 : i32
      %sign3A_340 = arith.extui %sign3A_339 : i1 to i32
      %sign3A_341 = arith.constant 0 : i32
      %sign3A_342 = arith.cmpi slt, %jit3A_326, %sign3A_341 : i32
      %sign3A_343 = arith.extui %sign3A_342 : i1 to i32
      %sign3A_344 = arith.subi %sign3A_340, %sign3A_343 : i32
      %ne3A_345 = vector.broadcast %sign3A_344 : i32 to vector<16xi32>
      %ne3A_346 = arith.cmpi ne, %sign3A_337, %ne3A_345 : vector<16xi32>
      %rem3A_347 = vector.broadcast %jit3A_326 : i32 to vector<16xi32>
      %rem3A_348 = arith.remsi %add3A_325, %rem3A_347 : vector<16xi32>
      %ne3A_349 = arith.constant 0 : i32
      %ne3A_350 = vector.broadcast %ne3A_349 : i32 to vector<16xi32>
      %ne3A_351 = arith.cmpi ne, %rem3A_348, %ne3A_350 : vector<16xi32>
      %and3A_352 = arith.andi %ne3A_346, %ne3A_351 : vector<16xi1>
      %sub3A_353 = arith.constant 1 : i32
      %sub3A_354 = vector.broadcast %sub3A_353 : i32 to vector<16xi32>
      %sub3A_355 = arith.subi %div3A_328, %sub3A_354 : vector<16xi32>
      %select_n3A_356 = arith.select %and3A_352, %sub3A_355, %div3A_328 : vector<16xi1>, vector<16xi32>
      %add3A_357 = arith.constant 32 : i32
      %add3A_358 = vector.broadcast %add3A_357 : i32 to vector<16xi32>
      %add3A_359 = arith.addi %iota3A, %add3A_358 : vector<16xi32>
      %jit3A_360 = arith.constant 8 : i32
      %div3A_361 = vector.broadcast %jit3A_360 : i32 to vector<16xi32>
      %div3A_362 = arith.divsi %add3A_359, %div3A_361 : vector<16xi32>
      %sign3A_363 = arith.constant 0 : i32
      %sign3A_364 = vector.broadcast %sign3A_363 : i32 to vector<16xi32>
      %sign3A_365 = arith.cmpi sgt, %add3A_359, %sign3A_364 : vector<16xi32>
      %sign3A_366 = arith.extui %sign3A_365 : vector<16xi1> to vector<16xi32>
      %sign3A_367 = arith.constant 0 : i32
      %sign3A_368 = vector.broadcast %sign3A_367 : i32 to vector<16xi32>
      %sign3A_369 = arith.cmpi slt, %add3A_359, %sign3A_368 : vector<16xi32>
      %sign3A_370 = arith.extui %sign3A_369 : vector<16xi1> to vector<16xi32>
      %sign3A_371 = arith.subi %sign3A_366, %sign3A_370 : vector<16xi32>
      %sign3A_372 = arith.constant 0 : i32
      %sign3A_373 = arith.cmpi sgt, %jit3A_360, %sign3A_372 : i32
      %sign3A_374 = arith.extui %sign3A_373 : i1 to i32
      %sign3A_375 = arith.constant 0 : i32
      %sign3A_376 = arith.cmpi slt, %jit3A_360, %sign3A_375 : i32
      %sign3A_377 = arith.extui %sign3A_376 : i1 to i32
      %sign3A_378 = arith.subi %sign3A_374, %sign3A_377 : i32
      %ne3A_379 = vector.broadcast %sign3A_378 : i32 to vector<16xi32>
      %ne3A_380 = arith.cmpi ne, %sign3A_371, %ne3A_379 : vector<16xi32>
      %rem3A_381 = vector.broadcast %jit3A_360 : i32 to vector<16xi32>
      %rem3A_382 = arith.remsi %add3A_359, %rem3A_381 : vector<16xi32>
      %ne3A_383 = arith.constant 0 : i32
      %ne3A_384 = vector.broadcast %ne3A_383 : i32 to vector<16xi32>
      %ne3A_385 = arith.cmpi ne, %rem3A_382, %ne3A_384 : vector<16xi32>
      %and3A_386 = arith.andi %ne3A_380, %ne3A_385 : vector<16xi1>
      %sub3A_387 = arith.constant 1 : i32
      %sub3A_388 = vector.broadcast %sub3A_387 : i32 to vector<16xi32>
      %sub3A_389 = arith.subi %div3A_362, %sub3A_388 : vector<16xi32>
      %select_n3A_390 = arith.select %and3A_386, %sub3A_389, %div3A_362 : vector<16xi1>, vector<16xi32>
      %add3A_391 = arith.constant 48 : i32
      %add3A_392 = vector.broadcast %add3A_391 : i32 to vector<16xi32>
      %add3A_393 = arith.addi %iota3A, %add3A_392 : vector<16xi32>
      %jit3A_394 = arith.constant 8 : i32
      %div3A_395 = vector.broadcast %jit3A_394 : i32 to vector<16xi32>
      %div3A_396 = arith.divsi %add3A_393, %div3A_395 : vector<16xi32>
      %sign3A_397 = arith.constant 0 : i32
      %sign3A_398 = vector.broadcast %sign3A_397 : i32 to vector<16xi32>
      %sign3A_399 = arith.cmpi sgt, %add3A_393, %sign3A_398 : vector<16xi32>
      %sign3A_400 = arith.extui %sign3A_399 : vector<16xi1> to vector<16xi32>
      %sign3A_401 = arith.constant 0 : i32
      %sign3A_402 = vector.broadcast %sign3A_401 : i32 to vector<16xi32>
      %sign3A_403 = arith.cmpi slt, %add3A_393, %sign3A_402 : vector<16xi32>
      %sign3A_404 = arith.extui %sign3A_403 : vector<16xi1> to vector<16xi32>
      %sign3A_405 = arith.subi %sign3A_400, %sign3A_404 : vector<16xi32>
      %sign3A_406 = arith.constant 0 : i32
      %sign3A_407 = arith.cmpi sgt, %jit3A_394, %sign3A_406 : i32
      %sign3A_408 = arith.extui %sign3A_407 : i1 to i32
      %sign3A_409 = arith.constant 0 : i32
      %sign3A_410 = arith.cmpi slt, %jit3A_394, %sign3A_409 : i32
      %sign3A_411 = arith.extui %sign3A_410 : i1 to i32
      %sign3A_412 = arith.subi %sign3A_408, %sign3A_411 : i32
      %ne3A_413 = vector.broadcast %sign3A_412 : i32 to vector<16xi32>
      %ne3A_414 = arith.cmpi ne, %sign3A_405, %ne3A_413 : vector<16xi32>
      %rem3A_415 = vector.broadcast %jit3A_394 : i32 to vector<16xi32>
      %rem3A_416 = arith.remsi %add3A_393, %rem3A_415 : vector<16xi32>
      %ne3A_417 = arith.constant 0 : i32
      %ne3A_418 = vector.broadcast %ne3A_417 : i32 to vector<16xi32>
      %ne3A_419 = arith.cmpi ne, %rem3A_416, %ne3A_418 : vector<16xi32>
      %and3A_420 = arith.andi %ne3A_414, %ne3A_419 : vector<16xi1>
      %sub3A_421 = arith.constant 1 : i32
      %sub3A_422 = vector.broadcast %sub3A_421 : i32 to vector<16xi32>
      %sub3A_423 = arith.subi %div3A_396, %sub3A_422 : vector<16xi32>
      %select_n3A_424 = arith.select %and3A_420, %sub3A_423, %div3A_396 : vector<16xi1>, vector<16xi32>
      %add3A_425 = arith.constant 0 : i32
      %add3A_426 = vector.broadcast %add3A_425 : i32 to vector<16xi32>
      %add3A_427 = arith.addi %iota3A, %add3A_426 : vector<16xi32>
      %jit3A_428 = arith.constant 8 : i32
      %eq3A_429 = arith.constant 0 : i32
      %eq3A_430 = arith.cmpi eq, %jit3A_428, %eq3A_429 : i32
      %jit3A_431 = arith.constant 1 : i32
      %select_n3A_432 = arith.select %eq3A_430, %jit3A_431, %jit3A_428 : i32
      %rem3A_433 = vector.broadcast %select_n3A_432 : i32 to vector<16xi32>
      %rem3A_434 = arith.remsi %add3A_427, %rem3A_433 : vector<16xi32>
      %ne3A_435 = arith.constant 0 : i32
      %ne3A_436 = vector.broadcast %ne3A_435 : i32 to vector<16xi32>
      %ne3A_437 = arith.cmpi ne, %rem3A_434, %ne3A_436 : vector<16xi32>
      %lt3A_438 = arith.constant 0 : i32
      %lt3A_439 = vector.broadcast %lt3A_438 : i32 to vector<16xi32>
      %lt3A_440 = arith.cmpi slt, %rem3A_434, %lt3A_439 : vector<16xi32>
      %lt3A_441 = arith.constant 0 : i32
      %lt3A_442 = arith.cmpi slt, %select_n3A_432, %lt3A_441 : i32
      %ne3A_443 = vector.broadcast %lt3A_442 : i1 to vector<16xi1>
      %ne3A_444 = vector.broadcast %ne3A_443 : vector<16xi1> to vector<16xi1>
      %ne3A_445 = arith.xori %lt3A_440, %ne3A_444 : vector<16xi1>
      %and3A_446 = arith.andi %ne3A_445, %ne3A_437 : vector<16xi1>
      %add3A_447 = vector.broadcast %select_n3A_432 : i32 to vector<16xi32>
      %add3A_448 = arith.addi %rem3A_434, %add3A_447 : vector<16xi32>
      %select_n3A_449 = arith.select %and3A_446, %add3A_448, %rem3A_434 : vector<16xi1>, vector<16xi32>
      %add3A_450 = arith.constant 16 : i32
      %add3A_451 = vector.broadcast %add3A_450 : i32 to vector<16xi32>
      %add3A_452 = arith.addi %iota3A, %add3A_451 : vector<16xi32>
      %jit3A_453 = arith.constant 8 : i32
      %eq3A_454 = arith.constant 0 : i32
      %eq3A_455 = arith.cmpi eq, %jit3A_453, %eq3A_454 : i32
      %jit3A_456 = arith.constant 1 : i32
      %select_n3A_457 = arith.select %eq3A_455, %jit3A_456, %jit3A_453 : i32
      %rem3A_458 = vector.broadcast %select_n3A_457 : i32 to vector<16xi32>
      %rem3A_459 = arith.remsi %add3A_452, %rem3A_458 : vector<16xi32>
      %ne3A_460 = arith.constant 0 : i32
      %ne3A_461 = vector.broadcast %ne3A_460 : i32 to vector<16xi32>
      %ne3A_462 = arith.cmpi ne, %rem3A_459, %ne3A_461 : vector<16xi32>
      %lt3A_463 = arith.constant 0 : i32
      %lt3A_464 = vector.broadcast %lt3A_463 : i32 to vector<16xi32>
      %lt3A_465 = arith.cmpi slt, %rem3A_459, %lt3A_464 : vector<16xi32>
      %lt3A_466 = arith.constant 0 : i32
      %lt3A_467 = arith.cmpi slt, %select_n3A_457, %lt3A_466 : i32
      %ne3A_468 = vector.broadcast %lt3A_467 : i1 to vector<16xi1>
      %ne3A_469 = vector.broadcast %ne3A_468 : vector<16xi1> to vector<16xi1>
      %ne3A_470 = arith.xori %lt3A_465, %ne3A_469 : vector<16xi1>
      %and3A_471 = arith.andi %ne3A_470, %ne3A_462 : vector<16xi1>
      %add3A_472 = vector.broadcast %select_n3A_457 : i32 to vector<16xi32>
      %add3A_473 = arith.addi %rem3A_459, %add3A_472 : vector<16xi32>
      %select_n3A_474 = arith.select %and3A_471, %add3A_473, %rem3A_459 : vector<16xi1>, vector<16xi32>
      %add3A_475 = arith.constant 32 : i32
      %add3A_476 = vector.broadcast %add3A_475 : i32 to vector<16xi32>
      %add3A_477 = arith.addi %iota3A, %add3A_476 : vector<16xi32>
      %jit3A_478 = arith.constant 8 : i32
      %eq3A_479 = arith.constant 0 : i32
      %eq3A_480 = arith.cmpi eq, %jit3A_478, %eq3A_479 : i32
      %jit3A_481 = arith.constant 1 : i32
      %select_n3A_482 = arith.select %eq3A_480, %jit3A_481, %jit3A_478 : i32
      %rem3A_483 = vector.broadcast %select_n3A_482 : i32 to vector<16xi32>
      %rem3A_484 = arith.remsi %add3A_477, %rem3A_483 : vector<16xi32>
      %ne3A_485 = arith.constant 0 : i32
      %ne3A_486 = vector.broadcast %ne3A_485 : i32 to vector<16xi32>
      %ne3A_487 = arith.cmpi ne, %rem3A_484, %ne3A_486 : vector<16xi32>
      %lt3A_488 = arith.constant 0 : i32
      %lt3A_489 = vector.broadcast %lt3A_488 : i32 to vector<16xi32>
      %lt3A_490 = arith.cmpi slt, %rem3A_484, %lt3A_489 : vector<16xi32>
      %lt3A_491 = arith.constant 0 : i32
      %lt3A_492 = arith.cmpi slt, %select_n3A_482, %lt3A_491 : i32
      %ne3A_493 = vector.broadcast %lt3A_492 : i1 to vector<16xi1>
      %ne3A_494 = vector.broadcast %ne3A_493 : vector<16xi1> to vector<16xi1>
      %ne3A_495 = arith.xori %lt3A_490, %ne3A_494 : vector<16xi1>
      %and3A_496 = arith.andi %ne3A_495, %ne3A_487 : vector<16xi1>
      %add3A_497 = vector.broadcast %select_n3A_482 : i32 to vector<16xi32>
      %add3A_498 = arith.addi %rem3A_484, %add3A_497 : vector<16xi32>
      %select_n3A_499 = arith.select %and3A_496, %add3A_498, %rem3A_484 : vector<16xi1>, vector<16xi32>
      %add3A_500 = arith.constant 48 : i32
      %add3A_501 = vector.broadcast %add3A_500 : i32 to vector<16xi32>
      %add3A_502 = arith.addi %iota3A, %add3A_501 : vector<16xi32>
      %jit3A_503 = arith.constant 8 : i32
      %eq3A_504 = arith.constant 0 : i32
      %eq3A_505 = arith.cmpi eq, %jit3A_503, %eq3A_504 : i32
      %jit3A_506 = arith.constant 1 : i32
      %select_n3A_507 = arith.select %eq3A_505, %jit3A_506, %jit3A_503 : i32
      %rem3A_508 = vector.broadcast %select_n3A_507 : i32 to vector<16xi32>
      %rem3A_509 = arith.remsi %add3A_502, %rem3A_508 : vector<16xi32>
      %ne3A_510 = arith.constant 0 : i32
      %ne3A_511 = vector.broadcast %ne3A_510 : i32 to vector<16xi32>
      %ne3A_512 = arith.cmpi ne, %rem3A_509, %ne3A_511 : vector<16xi32>
      %lt3A_513 = arith.constant 0 : i32
      %lt3A_514 = vector.broadcast %lt3A_513 : i32 to vector<16xi32>
      %lt3A_515 = arith.cmpi slt, %rem3A_509, %lt3A_514 : vector<16xi32>
      %lt3A_516 = arith.constant 0 : i32
      %lt3A_517 = arith.cmpi slt, %select_n3A_507, %lt3A_516 : i32
      %ne3A_518 = vector.broadcast %lt3A_517 : i1 to vector<16xi1>
      %ne3A_519 = vector.broadcast %ne3A_518 : vector<16xi1> to vector<16xi1>
      %ne3A_520 = arith.xori %lt3A_515, %ne3A_519 : vector<16xi1>
      %and3A_521 = arith.andi %ne3A_520, %ne3A_512 : vector<16xi1>
      %add3A_522 = vector.broadcast %select_n3A_507 : i32 to vector<16xi32>
      %add3A_523 = arith.addi %rem3A_509, %add3A_522 : vector<16xi32>
      %select_n3A_524 = arith.select %and3A_521, %add3A_523, %rem3A_509 : vector<16xi1>, vector<16xi32>
      %scan3A_525 = arith.constant 0 : i32
      %scan3A_526 = arith.constant 64 : i32
      %scan3A_527 = arith.addi %scan3A_525, %scan3A_526 : i32
      %scan3A_528 = arith.constant 1 : i32
      scf.for %scan3A_1165 = %scan3A_525 to %scan3A_527 step %scan3A_528  : i32 {
        %mul3A_1166 = arith.constant 4 : i32
        %mul3A_1167 = arith.muli %scan3A_1165, %mul3A_1166 : i32
        %add3A_1168 = arith.constant 0 : i32
        %add3A_1169 = arith.addi %mul3A_1167, %add3A_1168 : i32
        %broadcast_in_dim3A = vector.broadcast %add3A_1169 : i32 to vector<16xi32>
        %get3A = arith.index_cast %add3A_1169 : i32 to index
        %get3A_1170 = arith.constant 0 : index
        %get3A_1171 = tpu.vector_load %arg6[%get3A, %get3A_1170] {strides = array<i32>} : memref<256x64xf32, #tpu.memory_space<vmem>>, vector<16xf32>,
        tpu.vector_store_idx %arg8[%select_n3A_322, %select_n3A_449, %broadcast_in_dim3A], %get3A_1171 : memref<8x8x261xf32, #tpu.memory_space<vmem>>[vector<16xi32>, vector<16xi32>, vector<16xi32>], vector<16xf32>,
        %get3A_1172 = arith.index_cast %add3A_1169 : i32 to index
        %get3A_1173 = arith.constant 16 : index
        %get3A_1174 = tpu.vector_load %arg6[%get3A_1172, %get3A_1173] {strides = array<i32>} : memref<256x64xf32, #tpu.memory_space<vmem>>, vector<16xf32>,
        tpu.vector_store_idx %arg8[%select_n3A_356, %select_n3A_474, %broadcast_in_dim3A], %get3A_1174 : memref<8x8x261xf32, #tpu.memory_space<vmem>>[vector<16xi32>, vector<16xi32>, vector<16xi32>], vector<16xf32>,
        %get3A_1175 = arith.index_cast %add3A_1169 : i32 to index
        %get3A_1176 = arith.constant 32 : index
        %get3A_1177 = tpu.vector_load %arg6[%get3A_1175, %get3A_1176] {strides = array<i32>} : memref<256x64xf32, #tpu.memory_space<vmem>>, vector<16xf32>,
        tpu.vector_store_idx %arg8[%select_n3A_390, %select_n3A_499, %broadcast_in_dim3A], %get3A_1177 : memref<8x8x261xf32, #tpu.memory_space<vmem>>[vector<16xi32>, vector<16xi32>, vector<16xi32>], vector<16xf32>,
        %get3A_1178 = arith.index_cast %add3A_1169 : i32 to index
        %get3A_1179 = arith.constant 48 : index
        %get3A_1180 = tpu.vector_load %arg6[%get3A_1178, %get3A_1179] {strides = array<i32>} : memref<256x64xf32, #tpu.memory_space<vmem>>, vector<16xf32>,
        tpu.vector_store_idx %arg8[%select_n3A_424, %select_n3A_524, %broadcast_in_dim3A], %get3A_1180 : memref<8x8x261xf32, #tpu.memory_space<vmem>>[vector<16xi32>, vector<16xi32>, vector<16xi32>], vector<16xf32>,
        %mul3A_1181 = arith.constant 4 : i32
        %mul3A_1182 = arith.muli %scan3A_1165, %mul3A_1181 : i32
        %add3A_1183 = arith.constant 1 : i32
        %add3A_1184 = arith.addi %mul3A_1182, %add3A_1183 : i32
        %broadcast_in_dim3A_1185 = vector.broadcast %add3A_1184 : i32 to vector<16xi32>
        %get3A_1186 = arith.index_cast %add3A_1184 : i32 to index
        %get3A_1187 = arith.constant 0 : index
        %get3A_1188 = tpu.vector_load %arg6[%get3A_1186, %get3A_1187] {strides = array<i32>} : memref<256x64xf32, #tpu.memory_space<vmem>>, vector<16xf32>,
        tpu.vector_store_idx %arg8[%select_n3A_322, %select_n3A_449, %broadcast_in_dim3A_1185], %get3A_1188 : memref<8x8x261xf32, #tpu.memory_space<vmem>>[vector<16xi32>, vector<16xi32>, vector<16xi32>], vector<16xf32>,
        %get3A_1189 = arith.index_cast %add3A_1184 : i32 to index
        %get3A_1190 = arith.constant 16 : index
        %get3A_1191 = tpu.vector_load %arg6[%get3A_1189, %get3A_1190] {strides = array<i32>} : memref<256x64xf32, #tpu.memory_space<vmem>>, vector<16xf32>,
        tpu.vector_store_idx %arg8[%select_n3A_356, %select_n3A_474, %broadcast_in_dim3A_1185], %get3A_1191 : memref<8x8x261xf32, #tpu.memory_space<vmem>>[vector<16xi32>, vector<16xi32>, vector<16xi32>], vector<16xf32>,
        %get3A_1192 = arith.index_cast %add3A_1184 : i32 to index
        %get3A_1193 = arith.constant 32 : index
        %get3A_1194 = tpu.vector_load %arg6[%get3A_1192, %get3A_1193] {strides = array<i32>} : memref<256x64xf32, #tpu.memory_space<vmem>>, vector<16xf32>,
        tpu.vector_store_idx %arg8[%select_n3A_390, %select_n3A_499, %broadcast_in_dim3A_1185], %get3A_1194 : memref<8x8x261xf32, #tpu.memory_space<vmem>>[vector<16xi32>, vector<16xi32>, vector<16xi32>], vector<16xf32>,
        %get3A_1195 = arith.index_cast %add3A_1184 : i32 to index
        %get3A_1196 = arith.constant 48 : index
        %get3A_1197 = tpu.vector_load %arg6[%get3A_1195, %get3A_1196] {strides = array<i32>} : memref<256x64xf32, #tpu.memory_space<vmem>>, vector<16xf32>,
        tpu.vector_store_idx %arg8[%select_n3A_424, %select_n3A_524, %broadcast_in_dim3A_1185], %get3A_1197 : memref<8x8x261xf32, #tpu.memory_space<vmem>>[vector<16xi32>, vector<16xi32>, vector<16xi32>], vector<16xf32>,
        %mul3A_1198 = arith.constant 4 : i32
        %mul3A_1199 = arith.muli %scan3A_1165, %mul3A_1198 : i32
        %add3A_1200 = arith.constant 2 : i32
        %add3A_1201 = arith.addi %mul3A_1199, %add3A_1200 : i32
        %broadcast_in_dim3A_1202 = vector.broadcast %add3A_1201 : i32 to vector<16xi32>
        %get3A_1203 = arith.index_cast %add3A_1201 : i32 to index
        %get3A_1204 = arith.constant 0 : index
        %get3A_1205 = tpu.vector_load %arg6[%get3A_1203, %get3A_1204] {strides = array<i32>} : memref<256x64xf32, #tpu.memory_space<vmem>>, vector<16xf32>,
        tpu.vector_store_idx %arg8[%select_n3A_322, %select_n3A_449, %broadcast_in_dim3A_1202], %get3A_1205 : memref<8x8x261xf32, #tpu.memory_space<vmem>>[vector<16xi32>, vector<16xi32>, vector<16xi32>], vector<16xf32>,
        %get3A_1206 = arith.index_cast %add3A_1201 : i32 to index
        %get3A_1207 = arith.constant 16 : index
        %get3A_1208 = tpu.vector_load %arg6[%get3A_1206, %get3A_1207] {strides = array<i32>} : memref<256x64xf32, #tpu.memory_space<vmem>>, vector<16xf32>,
        tpu.vector_store_idx %arg8[%select_n3A_356, %select_n3A_474, %broadcast_in_dim3A_1202], %get3A_1208 : memref<8x8x261xf32, #tpu.memory_space<vmem>>[vector<16xi32>, vector<16xi32>, vector<16xi32>], vector<16xf32>,
        %get3A_1209 = arith.index_cast %add3A_1201 : i32 to index
        %get3A_1210 = arith.constant 32 : index
        %get3A_1211 = tpu.vector_load %arg6[%get3A_1209, %get3A_1210] {strides = array<i32>} : memref<256x64xf32, #tpu.memory_space<vmem>>, vector<16xf32>,
        tpu.vector_store_idx %arg8[%select_n3A_390, %select_n3A_499, %broadcast_in_dim3A_1202], %get3A_1211 : memref<8x8x261xf32, #tpu.memory_space<vmem>>[vector<16xi32>, vector<16xi32>, vector<16xi32>], vector<16xf32>,
        %get3A_1212 = arith.index_cast %add3A_1201 : i32 to index
        %get3A_1213 = arith.constant 48 : index
        %get3A_1214 = tpu.vector_load %arg6[%get3A_1212, %get3A_1213] {strides = array<i32>} : memref<256x64xf32, #tpu.memory_space<vmem>>, vector<16xf32>,
        tpu.vector_store_idx %arg8[%select_n3A_424, %select_n3A_524, %broadcast_in_dim3A_1202], %get3A_1214 : memref<8x8x261xf32, #tpu.memory_space<vmem>>[vector<16xi32>, vector<16xi32>, vector<16xi32>], vector<16xf32>,
        %mul3A_1215 = arith.constant 4 : i32
        %mul3A_1216 = arith.muli %scan3A_1165, %mul3A_1215 : i32
        %add3A_1217 = arith.constant 3 : i32
        %add3A_1218 = arith.addi %mul3A_1216, %add3A_1217 : i32
        %broadcast_in_dim3A_1219 = vector.broadcast %add3A_1218 : i32 to vector<16xi32>
        %get3A_1220 = arith.index_cast %add3A_1218 : i32 to index
        %get3A_1221 = arith.constant 0 : index
        %get3A_1222 = tpu.vector_load %arg6[%get3A_1220, %get3A_1221] {strides = array<i32>} : memref<256x64xf32, #tpu.memory_space<vmem>>, vector<16xf32>,
        tpu.vector_store_idx %arg8[%select_n3A_322, %select_n3A_449, %broadcast_in_dim3A_1219], %get3A_1222 : memref<8x8x261xf32, #tpu.memory_space<vmem>>[vector<16xi32>, vector<16xi32>, vector<16xi32>], vector<16xf32>,
        %get3A_1223 = arith.index_cast %add3A_1218 : i32 to index
        %get3A_1224 = arith.constant 16 : index
        %get3A_1225 = tpu.vector_load %arg6[%get3A_1223, %get3A_1224] {strides = array<i32>} : memref<256x64xf32, #tpu.memory_space<vmem>>, vector<16xf32>,
        tpu.vector_store_idx %arg8[%select_n3A_356, %select_n3A_474, %broadcast_in_dim3A_1219], %get3A_1225 : memref<8x8x261xf32, #tpu.memory_space<vmem>>[vector<16xi32>, vector<16xi32>, vector<16xi32>], vector<16xf32>,
        %get3A_1226 = arith.index_cast %add3A_1218 : i32 to index
        %get3A_1227 = arith.constant 32 : index
        %get3A_1228 = tpu.vector_load %arg6[%get3A_1226, %get3A_1227] {strides = array<i32>} : memref<256x64xf32, #tpu.memory_space<vmem>>, vector<16xf32>,
        tpu.vector_store_idx %arg8[%select_n3A_390, %select_n3A_499, %broadcast_in_dim3A_1219], %get3A_1228 : memref<8x8x261xf32, #tpu.memory_space<vmem>>[vector<16xi32>, vector<16xi32>, vector<16xi32>], vector<16xf32>,
        %get3A_1229 = arith.index_cast %add3A_1218 : i32 to index
        %get3A_1230 = arith.constant 48 : index
        %get3A_1231 = tpu.vector_load %arg6[%get3A_1229, %get3A_1230] {strides = array<i32>} : memref<256x64xf32, #tpu.memory_space<vmem>>, vector<16xf32>,
        tpu.vector_store_idx %arg8[%select_n3A_424, %select_n3A_524, %broadcast_in_dim3A_1219], %get3A_1231 : memref<8x8x261xf32, #tpu.memory_space<vmem>>[vector<16xi32>, vector<16xi32>, vector<16xi32>], vector<16xf32>,
      }
      %scan3A_529 = arith.constant 64 : i32
      %add3A_530 = arith.addi %mul3A_2, %mul3A_225 : i32
      %jit3A_531 = arith.constant 16 : i32
      %div3A_532 = arith.divsi %add3A_530, %jit3A_531 : i32
      %sign3A_533 = arith.constant 0 : i32
      %sign3A_534 = arith.cmpi sgt, %add3A_530, %sign3A_533 : i32
      %sign3A_535 = arith.extui %sign3A_534 : i1 to i32
      %sign3A_536 = arith.constant 0 : i32
      %sign3A_537 = arith.cmpi slt, %add3A_530, %sign3A_536 : i32
      %sign3A_538 = arith.extui %sign3A_537 : i1 to i32
      %sign3A_539 = arith.subi %sign3A_535, %sign3A_538 : i32
      %sign3A_540 = arith.constant 0 : i32
      %sign3A_541 = arith.cmpi sgt, %jit3A_531, %sign3A_540 : i32
      %sign3A_542 = arith.extui %sign3A_541 : i1 to i32
      %sign3A_543 = arith.constant 0 : i32
      %sign3A_544 = arith.cmpi slt, %jit3A_531, %sign3A_543 : i32
      %sign3A_545 = arith.extui %sign3A_544 : i1 to i32
      %sign3A_546 = arith.subi %sign3A_542, %sign3A_545 : i32
      %ne3A_547 = arith.cmpi ne, %sign3A_539, %sign3A_546 : i32
      %rem3A_548 = arith.remsi %add3A_530, %jit3A_531 : i32
      %ne3A_549 = arith.constant 0 : i32
      %ne3A_550 = arith.cmpi ne, %rem3A_548, %ne3A_549 : i32
      %and3A_551 = arith.andi %ne3A_547, %ne3A_550 : i1
      %sub3A_552 = arith.constant 1 : i32
      %sub3A_553 = arith.subi %div3A_532, %sub3A_552 : i32
      %select_n3A_554 = arith.select %and3A_551, %sub3A_553, %div3A_532 : i32
      %add3A_555 = arith.addi %mul3A_2, %mul3A_225 : i32
      %jit3A_556 = arith.constant 16 : i32
      %eq3A_557 = arith.constant 0 : i32
      %eq3A_558 = arith.cmpi eq, %jit3A_556, %eq3A_557 : i32
      %jit3A_559 = arith.constant 1 : i32
      %select_n3A_560 = arith.select %eq3A_558, %jit3A_559, %jit3A_556 : i32
      %rem3A_561 = arith.remsi %add3A_555, %select_n3A_560 : i32
      %ne3A_562 = arith.constant 0 : i32
      %ne3A_563 = arith.cmpi ne, %rem3A_561, %ne3A_562 : i32
      %lt3A_564 = arith.constant 0 : i32
      %lt3A_565 = arith.cmpi slt, %rem3A_561, %lt3A_564 : i32
      %lt3A_566 = arith.constant 0 : i32
      %lt3A_567 = arith.cmpi slt, %select_n3A_560, %lt3A_566 : i32
      %ne3A_568 = arith.xori %lt3A_565, %lt3A_567 : i1
      %and3A_569 = arith.andi %ne3A_568, %ne3A_563 : i1
      %add3A_570 = arith.addi %rem3A_561, %select_n3A_560 : i32
      %select_n3A_571 = arith.select %and3A_569, %add3A_570, %rem3A_561 : i32
      %mul3A_572 = arith.constant 256 : i32
      %mul3A_573 = arith.muli %select_n3A_571, %mul3A_572 : i32
      %jit3A_574 = arith.constant 128 : i32
      %div3A_575 = arith.divsi %mul3A_573, %jit3A_574 : i32
      %sign3A_576 = arith.constant 0 : i32
      %sign3A_577 = arith.cmpi sgt, %mul3A_573, %sign3A_576 : i32
      %sign3A_578 = arith.extui %sign3A_577 : i1 to i32
      %sign3A_579 = arith.constant 0 : i32
      %sign3A_580 = arith.cmpi slt, %mul3A_573, %sign3A_579 : i32
      %sign3A_581 = arith.extui %sign3A_580 : i1 to i32
      %sign3A_582 = arith.subi %sign3A_578, %sign3A_581 : i32
      %sign3A_583 = arith.constant 0 : i32
      %sign3A_584 = arith.cmpi sgt, %jit3A_574, %sign3A_583 : i32
      %sign3A_585 = arith.extui %sign3A_584 : i1 to i32
      %sign3A_586 = arith.constant 0 : i32
      %sign3A_587 = arith.cmpi slt, %jit3A_574, %sign3A_586 : i32
      %sign3A_588 = arith.extui %sign3A_587 : i1 to i32
      %sign3A_589 = arith.subi %sign3A_585, %sign3A_588 : i32
      %ne3A_590 = arith.cmpi ne, %sign3A_582, %sign3A_589 : i32
      %rem3A_591 = arith.remsi %mul3A_573, %jit3A_574 : i32
      %ne3A_592 = arith.constant 0 : i32
      %ne3A_593 = arith.cmpi ne, %rem3A_591, %ne3A_592 : i32
      %and3A_594 = arith.andi %ne3A_590, %ne3A_593 : i1
      %sub3A_595 = arith.constant 1 : i32
      %sub3A_596 = arith.subi %div3A_575, %sub3A_595 : i32
      %select_n3A_597 = arith.select %and3A_594, %sub3A_596, %div3A_575 : i32
      %add3A_598 = arith.constant 0 : i32
      %add3A_599 = arith.addi %select_n3A_597, %add3A_598 : i32
      %dma_start3A_600 = arith.constant 0 : i32
      %dma_start3A_601 = arith.constant 0 : i32
      %dma_start3A_602 = arith.constant 0 : i32
      %dma_start3A_603 = tpu.memref_slice %arg8[%dma_start3A_600, %dma_start3A_601, %dma_start3A_602] : memref<8x8x261xf32, #tpu.memory_space<vmem>> -> memref<8x8x128xf32, #tpu.memory_space<vmem>>
      %dma_start3A_604 = arith.constant 0 : i32
      %dma_start3A_605 = arith.constant 0 : i32
      %dma_start3A_606 = arith.constant 0 : i32
      %dma_start3A_607 = tpu.memref_slice %arg4[%select_n3A_554, %dma_start3A_604, %add3A_599, %dma_start3A_605, %dma_start3A_606] : memref<200x8x32x8x128xf32, #tpu.memory_space<hbm>> -> memref<1x8x1x8x128xf32, #tpu.memory_space<hbm>>
      %dma_start3A_608 = tpu.memref_squeeze %dma_start3A_607 : memref<1x8x1x8x128xf32, #tpu.memory_space<hbm>> -> memref<8x8x128xf32, #tpu.memory_space<hbm>>
      %dma_start3A_609 = arith.constant 0 : i32
      %dma_start3A_610 = arith.constant 0 : i32
      %dma_start3A_611 = arith.constant 0 : i32
      %dma_start3A_612 = tpu.memref_slice %arg4[%select_n3A_554, %dma_start3A_609, %add3A_599, %dma_start3A_610, %dma_start3A_611] : memref<200x8x32x8x128xf32, #tpu.memory_space<hbm>> -> memref<1x8x1x8x128xf32, #tpu.memory_space<hbm>>
      %dma_start3A_613 = tpu.memref_squeeze %dma_start3A_612 : memref<1x8x1x8x128xf32, #tpu.memory_space<hbm>> -> memref<8x8x128xf32, #tpu.memory_space<hbm>>
      %dma_start3A_614 = arith.constant 0 : i32
      %dma_start3A_615 = arith.constant 0 : i32
      %dma_start3A_616 = arith.constant 0 : i32
      %dma_start3A_617 = tpu.memref_slice %arg8[%dma_start3A_614, %dma_start3A_615, %dma_start3A_616] : memref<8x8x261xf32, #tpu.memory_space<vmem>> -> memref<8x8x128xf32, #tpu.memory_space<vmem>>
      tpu.enqueue_dma source(%dma_start3A_617 : memref<8x8x128xf32, #tpu.memory_space<vmem>>) target(%dma_start3A_613 : memref<8x8x128xf32, #tpu.memory_space<hbm>>) target_semaphore(%arg14 : memref<!tpu.dma_semaphore, #tpu.memory_space<semaphore_mem>>)
      %add3A_618 = arith.addi %mul3A_2, %mul3A_225 : i32
      %jit3A_619 = arith.constant 16 : i32
      %div3A_620 = arith.divsi %add3A_618, %jit3A_619 : i32
      %sign3A_621 = arith.constant 0 : i32
      %sign3A_622 = arith.cmpi sgt, %add3A_618, %sign3A_621 : i32
      %sign3A_623 = arith.extui %sign3A_622 : i1 to i32
      %sign3A_624 = arith.constant 0 : i32
      %sign3A_625 = arith.cmpi slt, %add3A_618, %sign3A_624 : i32
      %sign3A_626 = arith.extui %sign3A_625 : i1 to i32
      %sign3A_627 = arith.subi %sign3A_623, %sign3A_626 : i32
      %sign3A_628 = arith.constant 0 : i32
      %sign3A_629 = arith.cmpi sgt, %jit3A_619, %sign3A_628 : i32
      %sign3A_630 = arith.extui %sign3A_629 : i1 to i32
      %sign3A_631 = arith.constant 0 : i32
      %sign3A_632 = arith.cmpi slt, %jit3A_619, %sign3A_631 : i32
      %sign3A_633 = arith.extui %sign3A_632 : i1 to i32
      %sign3A_634 = arith.subi %sign3A_630, %sign3A_633 : i32
      %ne3A_635 = arith.cmpi ne, %sign3A_627, %sign3A_634 : i32
      %rem3A_636 = arith.remsi %add3A_618, %jit3A_619 : i32
      %ne3A_637 = arith.constant 0 : i32
      %ne3A_638 = arith.cmpi ne, %rem3A_636, %ne3A_637 : i32
      %and3A_639 = arith.andi %ne3A_635, %ne3A_638 : i1
      %sub3A_640 = arith.constant 1 : i32
      %sub3A_641 = arith.subi %div3A_620, %sub3A_640 : i32
      %select_n3A_642 = arith.select %and3A_639, %sub3A_641, %div3A_620 : i32
      %add3A_643 = arith.addi %mul3A_2, %mul3A_225 : i32
      %jit3A_644 = arith.constant 16 : i32
      %eq3A_645 = arith.constant 0 : i32
      %eq3A_646 = arith.cmpi eq, %jit3A_644, %eq3A_645 : i32
      %jit3A_647 = arith.constant 1 : i32
      %select_n3A_648 = arith.select %eq3A_646, %jit3A_647, %jit3A_644 : i32
      %rem3A_649 = arith.remsi %add3A_643, %select_n3A_648 : i32
      %ne3A_650 = arith.constant 0 : i32
      %ne3A_651 = arith.cmpi ne, %rem3A_649, %ne3A_650 : i32
      %lt3A_652 = arith.constant 0 : i32
      %lt3A_653 = arith.cmpi slt, %rem3A_649, %lt3A_652 : i32
      %lt3A_654 = arith.constant 0 : i32
      %lt3A_655 = arith.cmpi slt, %select_n3A_648, %lt3A_654 : i32
      %ne3A_656 = arith.xori %lt3A_653, %lt3A_655 : i1
      %and3A_657 = arith.andi %ne3A_656, %ne3A_651 : i1
      %add3A_658 = arith.addi %rem3A_649, %select_n3A_648 : i32
      %select_n3A_659 = arith.select %and3A_657, %add3A_658, %rem3A_649 : i32
      %mul3A_660 = arith.constant 256 : i32
      %mul3A_661 = arith.muli %select_n3A_659, %mul3A_660 : i32
      %jit3A_662 = arith.constant 128 : i32
      %div3A_663 = arith.divsi %mul3A_661, %jit3A_662 : i32
      %sign3A_664 = arith.constant 0 : i32
      %sign3A_665 = arith.cmpi sgt, %mul3A_661, %sign3A_664 : i32
      %sign3A_666 = arith.extui %sign3A_665 : i1 to i32
      %sign3A_667 = arith.constant 0 : i32
      %sign3A_668 = arith.cmpi slt, %mul3A_661, %sign3A_667 : i32
      %sign3A_669 = arith.extui %sign3A_668 : i1 to i32
      %sign3A_670 = arith.subi %sign3A_666, %sign3A_669 : i32
      %sign3A_671 = arith.constant 0 : i32
      %sign3A_672 = arith.cmpi sgt, %jit3A_662, %sign3A_671 : i32
      %sign3A_673 = arith.extui %sign3A_672 : i1 to i32
      %sign3A_674 = arith.constant 0 : i32
      %sign3A_675 = arith.cmpi slt, %jit3A_662, %sign3A_674 : i32
      %sign3A_676 = arith.extui %sign3A_675 : i1 to i32
      %sign3A_677 = arith.subi %sign3A_673, %sign3A_676 : i32
      %ne3A_678 = arith.cmpi ne, %sign3A_670, %sign3A_677 : i32
      %rem3A_679 = arith.remsi %mul3A_661, %jit3A_662 : i32
      %ne3A_680 = arith.constant 0 : i32
      %ne3A_681 = arith.cmpi ne, %rem3A_679, %ne3A_680 : i32
      %and3A_682 = arith.andi %ne3A_678, %ne3A_681 : i1
      %sub3A_683 = arith.constant 1 : i32
      %sub3A_684 = arith.subi %div3A_663, %sub3A_683 : i32
      %select_n3A_685 = arith.select %and3A_682, %sub3A_684, %div3A_663 : i32
      %add3A_686 = arith.constant 1 : i32
      %add3A_687 = arith.addi %select_n3A_685, %add3A_686 : i32
      %dma_start3A_688 = arith.constant 0 : i32
      %dma_start3A_689 = arith.constant 0 : i32
      %dma_start3A_690 = arith.constant 128 : i32
      %dma_start3A_691 = tpu.memref_slice %arg8[%dma_start3A_688, %dma_start3A_689, %dma_start3A_690] : memref<8x8x261xf32, #tpu.memory_space<vmem>> -> memref<8x8x128xf32, #tpu.memory_space<vmem>>
      %dma_start3A_692 = arith.constant 0 : i32
      %dma_start3A_693 = arith.constant 0 : i32
      %dma_start3A_694 = arith.constant 0 : i32
      %dma_start3A_695 = tpu.memref_slice %arg4[%select_n3A_642, %dma_start3A_692, %add3A_687, %dma_start3A_693, %dma_start3A_694] : memref<200x8x32x8x128xf32, #tpu.memory_space<hbm>> -> memref<1x8x1x8x128xf32, #tpu.memory_space<hbm>>
      %dma_start3A_696 = tpu.memref_squeeze %dma_start3A_695 : memref<1x8x1x8x128xf32, #tpu.memory_space<hbm>> -> memref<8x8x128xf32, #tpu.memory_space<hbm>>
      %dma_start3A_697 = arith.constant 0 : i32
      %dma_start3A_698 = arith.constant 0 : i32
      %dma_start3A_699 = arith.constant 0 : i32
      %dma_start3A_700 = tpu.memref_slice %arg4[%select_n3A_642, %dma_start3A_697, %add3A_687, %dma_start3A_698, %dma_start3A_699] : memref<200x8x32x8x128xf32, #tpu.memory_space<hbm>> -> memref<1x8x1x8x128xf32, #tpu.memory_space<hbm>>
      %dma_start3A_701 = tpu.memref_squeeze %dma_start3A_700 : memref<1x8x1x8x128xf32, #tpu.memory_space<hbm>> -> memref<8x8x128xf32, #tpu.memory_space<hbm>>
      %dma_start3A_702 = arith.constant 0 : i32
      %dma_start3A_703 = arith.constant 0 : i32
      %dma_start3A_704 = arith.constant 128 : i32
      %dma_start3A_705 = tpu.memref_slice %arg8[%dma_start3A_702, %dma_start3A_703, %dma_start3A_704] : memref<8x8x261xf32, #tpu.memory_space<vmem>> -> memref<8x8x128xf32, #tpu.memory_space<vmem>>
      tpu.enqueue_dma source(%dma_start3A_705 : memref<8x8x128xf32, #tpu.memory_space<vmem>>) target(%dma_start3A_701 : memref<8x8x128xf32, #tpu.memory_space<hbm>>) target_semaphore(%arg14 : memref<!tpu.dma_semaphore, #tpu.memory_space<semaphore_mem>>)
      %dma_wait3A_706 = arith.constant 1 : i32
      %dma_wait3A_707 = arith.constant 0 : i32
      %dma_wait3A_708 = arith.constant 0 : i32
      %dma_wait3A_709 = tpu.memref_slice %arg7[%dma_wait3A_707, %dma_wait3A_708] : memref<256x64xf32, #tpu.memory_space<vmem>> -> memref<128x64xf32, #tpu.memory_space<vmem>>
      %dma_wait3A_710 = arith.constant 0 : i32
      %dma_wait3A_711 = tpu.memref_slice %arg5[%dma_wait3A_706, %dma_wait3A_710] : memref<2x256xi32, #tpu.memory_space<vmem>> -> memref<1x128xi32, #tpu.memory_space<vmem>>
      %dma_wait3A_712 = tpu.memref_squeeze %dma_wait3A_711 : memref<1x128xi32, #tpu.memory_space<vmem>> -> memref<128xi32, #tpu.memory_space<vmem>>
      %dma_wait3A_713 = arith.constant 0 : i32
      %dma_wait3A_714 = arith.constant 0 : i32
      %dma_wait3A_715 = tpu.memref_slice %arg3[%dma_wait3A_713, %dma_wait3A_714] : memref<1000000x64xf32, #tpu.memory_space<hbm>> -> memref<1000000x64xf32, #tpu.memory_space<hbm>>
      tpu.wait_indirect_dma semaphore(%arg13 : memref<!tpu.dma_semaphore, #tpu.memory_space<semaphore_mem>>) src(%dma_wait3A_715 : memref<1000000x64xf32, #tpu.memory_space<hbm>>) dst(%dma_wait3A_709 : memref<128x64xf32, #tpu.memory_space<vmem>>)
      %dma_wait3A_716 = arith.constant 1 : i32
      %dma_wait3A_717 = arith.constant 128 : i32
      %dma_wait3A_718 = arith.constant 0 : i32
      %dma_wait3A_719 = tpu.memref_slice %arg7[%dma_wait3A_717, %dma_wait3A_718] : memref<256x64xf32, #tpu.memory_space<vmem>> -> memref<128x64xf32, #tpu.memory_space<vmem>>
      %dma_wait3A_720 = arith.constant 128 : i32
      %dma_wait3A_721 = tpu.memref_slice %arg5[%dma_wait3A_716, %dma_wait3A_720] : memref<2x256xi32, #tpu.memory_space<vmem>> -> memref<1x128xi32, #tpu.memory_space<vmem>>
      %dma_wait3A_722 = tpu.memref_squeeze %dma_wait3A_721 : memref<1x128xi32, #tpu.memory_space<vmem>> -> memref<128xi32, #tpu.memory_space<vmem>>
      %dma_wait3A_723 = arith.constant 0 : i32
      %dma_wait3A_724 = arith.constant 0 : i32
      %dma_wait3A_725 = tpu.memref_slice %arg3[%dma_wait3A_723, %dma_wait3A_724] : memref<1000000x64xf32, #tpu.memory_space<hbm>> -> memref<1000000x64xf32, #tpu.memory_space<hbm>>
      tpu.wait_indirect_dma semaphore(%arg13 : memref<!tpu.dma_semaphore, #tpu.memory_space<semaphore_mem>>) src(%dma_wait3A_725 : memref<1000000x64xf32, #tpu.memory_space<hbm>>) dst(%dma_wait3A_719 : memref<128x64xf32, #tpu.memory_space<vmem>>)
      %add3A_726 = arith.constant 3 : i32
      %add3A_727 = arith.addi %mul3A_225, %add3A_726 : i32
      %lt3A_728 = arith.constant 100 : i32
      %lt3A_729 = arith.cmpi slt, %add3A_727, %lt3A_728 : i32
      %convert_element_type3A_730 = arith.extui %lt3A_729 : i1 to i32
      %cond3A_731 = arith.constant 0 : i32
      %cond3A_732 = arith.cmpi ne, %convert_element_type3A_730, %cond3A_731 : i32
      scf.if %cond3A_732 {
        %add3A_1165 = arith.constant 3 : i32
        %add3A_1166 = arith.addi %mul3A_225, %add3A_1165 : i32
        %add3A_1167 = arith.addi %mul3A_2, %add3A_1166 : i32
        %jit3A_1168 = arith.constant 16 : i32
        %div3A_1169 = arith.divsi %add3A_1167, %jit3A_1168 : i32
        %sign3A_1170 = arith.constant 0 : i32
        %sign3A_1171 = arith.cmpi sgt, %add3A_1167, %sign3A_1170 : i32
        %sign3A_1172 = arith.extui %sign3A_1171 : i1 to i32
        %sign3A_1173 = arith.constant 0 : i32
        %sign3A_1174 = arith.cmpi slt, %add3A_1167, %sign3A_1173 : i32
        %sign3A_1175 = arith.extui %sign3A_1174 : i1 to i32
        %sign3A_1176 = arith.subi %sign3A_1172, %sign3A_1175 : i32
        %sign3A_1177 = arith.constant 0 : i32
        %sign3A_1178 = arith.cmpi sgt, %jit3A_1168, %sign3A_1177 : i32
        %sign3A_1179 = arith.extui %sign3A_1178 : i1 to i32
        %sign3A_1180 = arith.constant 0 : i32
        %sign3A_1181 = arith.cmpi slt, %jit3A_1168, %sign3A_1180 : i32
        %sign3A_1182 = arith.extui %sign3A_1181 : i1 to i32
        %sign3A_1183 = arith.subi %sign3A_1179, %sign3A_1182 : i32
        %ne3A_1184 = arith.cmpi ne, %sign3A_1176, %sign3A_1183 : i32
        %rem3A_1185 = arith.remsi %add3A_1167, %jit3A_1168 : i32
        %ne3A_1186 = arith.constant 0 : i32
        %ne3A_1187 = arith.cmpi ne, %rem3A_1185, %ne3A_1186 : i32
        %and3A_1188 = arith.andi %ne3A_1184, %ne3A_1187 : i1
        %sub3A_1189 = arith.constant 1 : i32
        %sub3A_1190 = arith.subi %div3A_1169, %sub3A_1189 : i32
        %select_n3A_1191 = arith.select %and3A_1188, %sub3A_1190, %div3A_1169 : i32
        %add3A_1192 = arith.addi %mul3A_2, %add3A_1166 : i32
        %jit3A_1193 = arith.constant 16 : i32
        %eq3A_1194 = arith.constant 0 : i32
        %eq3A_1195 = arith.cmpi eq, %jit3A_1193, %eq3A_1194 : i32
        %jit3A_1196 = arith.constant 1 : i32
        %select_n3A_1197 = arith.select %eq3A_1195, %jit3A_1196, %jit3A_1193 : i32
        %rem3A_1198 = arith.remsi %add3A_1192, %select_n3A_1197 : i32
        %ne3A_1199 = arith.constant 0 : i32
        %ne3A_1200 = arith.cmpi ne, %rem3A_1198, %ne3A_1199 : i32
        %lt3A_1201 = arith.constant 0 : i32
        %lt3A_1202 = arith.cmpi slt, %rem3A_1198, %lt3A_1201 : i32
        %lt3A_1203 = arith.constant 0 : i32
        %lt3A_1204 = arith.cmpi slt, %select_n3A_1197, %lt3A_1203 : i32
        %ne3A_1205 = arith.xori %lt3A_1202, %lt3A_1204 : i1
        %and3A_1206 = arith.andi %ne3A_1205, %ne3A_1200 : i1
        %add3A_1207 = arith.addi %rem3A_1198, %select_n3A_1197 : i32
        %select_n3A_1208 = arith.select %and3A_1206, %add3A_1207, %rem3A_1198 : i32
        %mul3A_1209 = arith.constant 256 : i32
        %mul3A_1210 = arith.muli %select_n3A_1208, %mul3A_1209 : i32
        %dma_start3A_1211 = arith.constant 1 : i32
        %dma_start3A_1212 = arith.constant 0 : i32
        %dma_start3A_1213 = tpu.memref_slice %arg5[%dma_start3A_1211, %dma_start3A_1212] : memref<2x256xi32, #tpu.memory_space<vmem>> -> memref<1x256xi32, #tpu.memory_space<vmem>>
        %dma_start3A_1214 = tpu.memref_squeeze %dma_start3A_1213 : memref<1x256xi32, #tpu.memory_space<vmem>> -> memref<256xi32, #tpu.memory_space<vmem>>
        %dma_start3A_1215 = tpu.memref_slice %arg2[%select_n3A_1191, %mul3A_1210] : memref<200x4096xi32, #tpu.memory_space<hbm>> -> memref<1x256xi32, #tpu.memory_space<hbm>>
        %dma_start3A_1216 = tpu.memref_squeeze %dma_start3A_1215 : memref<1x256xi32, #tpu.memory_space<hbm>> -> memref<256xi32, #tpu.memory_space<hbm>>
        %dma_start3A_1217 = arith.constant 0 : i32
        %dma_start3A_1218 = tpu.memref_slice %arg5[%dma_start3A_1211, %dma_start3A_1217] : memref<2x256xi32, #tpu.memory_space<vmem>> -> memref<1x256xi32, #tpu.memory_space<vmem>>
        %dma_start3A_1219 = tpu.memref_squeeze %dma_start3A_1218 : memref<1x256xi32, #tpu.memory_space<vmem>> -> memref<256xi32, #tpu.memory_space<vmem>>
        %dma_start3A_1220 = tpu.memref_slice %arg2[%select_n3A_1191, %mul3A_1210] : memref<200x4096xi32, #tpu.memory_space<hbm>> -> memref<1x256xi32, #tpu.memory_space<hbm>>
        %dma_start3A_1221 = tpu.memref_squeeze %dma_start3A_1220 : memref<1x256xi32, #tpu.memory_space<hbm>> -> memref<256xi32, #tpu.memory_space<hbm>>
        tpu.enqueue_dma source(%dma_start3A_1221 : memref<256xi32, #tpu.memory_space<hbm>>) target(%dma_start3A_1219 : memref<256xi32, #tpu.memory_space<vmem>>) target_semaphore(%arg11 : memref<!tpu.dma_semaphore, #tpu.memory_space<semaphore_mem>>)
      } else {
      }
      %add3A_733 = arith.constant 2 : i32
      %add3A_734 = arith.addi %mul3A_225, %add3A_733 : i32
      %lt3A_735 = arith.constant 100 : i32
      %lt3A_736 = arith.cmpi slt, %add3A_734, %lt3A_735 : i32
      %convert_element_type3A_737 = arith.extui %lt3A_736 : i1 to i32
      %cond3A_738 = arith.constant 0 : i32
      %cond3A_739 = arith.cmpi ne, %convert_element_type3A_737, %cond3A_738 : i32
      scf.if %cond3A_739 {
        %dma_wait3A_1165 = arith.constant 0 : i32
        %dma_wait3A_1166 = arith.constant 0 : i32
        %dma_wait3A_1167 = arith.constant 0 : i32
        %dma_wait3A_1168 = tpu.memref_slice %arg5[%dma_wait3A_1166, %dma_wait3A_1167] : memref<2x256xi32, #tpu.memory_space<vmem>> -> memref<1x256xi32, #tpu.memory_space<vmem>>
        %dma_wait3A_1169 = tpu.memref_squeeze %dma_wait3A_1168 : memref<1x256xi32, #tpu.memory_space<vmem>> -> memref<256xi32, #tpu.memory_space<vmem>>
        %dma_wait3A_1170 = arith.constant 0 : i32
        %dma_wait3A_1171 = tpu.memref_slice %arg2[%dma_wait3A_1165, %dma_wait3A_1170] : memref<200x4096xi32, #tpu.memory_space<hbm>> -> memref<1x256xi32, #tpu.memory_space<hbm>>
        %dma_wait3A_1172 = tpu.memref_squeeze %dma_wait3A_1171 : memref<1x256xi32, #tpu.memory_space<hbm>> -> memref<256xi32, #tpu.memory_space<hbm>>
        %dma_wait3A_1173 = arith.constant 0 : i32
        %dma_wait3A_1174 = tpu.memref_slice %arg5[%dma_wait3A_1166, %dma_wait3A_1173] : memref<2x256xi32, #tpu.memory_space<vmem>> -> memref<1x256xi32, #tpu.memory_space<vmem>>
        %dma_wait3A_1175 = tpu.memref_squeeze %dma_wait3A_1174 : memref<1x256xi32, #tpu.memory_space<vmem>> -> memref<256xi32, #tpu.memory_space<vmem>>
        %dma_wait3A_1176 = arith.constant 0 : i32
        %dma_wait3A_1177 = tpu.memref_slice %arg2[%dma_wait3A_1165, %dma_wait3A_1176] : memref<200x4096xi32, #tpu.memory_space<hbm>> -> memref<1x256xi32, #tpu.memory_space<hbm>>
        %dma_wait3A_1178 = tpu.memref_squeeze %dma_wait3A_1177 : memref<1x256xi32, #tpu.memory_space<hbm>> -> memref<256xi32, #tpu.memory_space<hbm>>
        tpu.wait_dma2 semaphore(%arg10 : memref<!tpu.dma_semaphore, #tpu.memory_space<semaphore_mem>>) src(%dma_wait3A_1178 : memref<256xi32, #tpu.memory_space<hbm>>) dst(%dma_wait3A_1175 : memref<256xi32, #tpu.memory_space<vmem>>)
        %dma_start3A_1179 = arith.constant 0 : i32
        %dma_start3A_1180 = arith.constant 0 : i32
        %dma_start3A_1181 = arith.constant 0 : i32
        %dma_start3A_1182 = tpu.memref_slice %arg6[%dma_start3A_1180, %dma_start3A_1181] : memref<256x64xf32, #tpu.memory_space<vmem>> -> memref<128x64xf32, #tpu.memory_space<vmem>>
        %dma_start3A_1183 = arith.constant 0 : i32
        %dma_start3A_1184 = tpu.memref_slice %arg5[%dma_start3A_1179, %dma_start3A_1183] : memref<2x256xi32, #tpu.memory_space<vmem>> -> memref<1x128xi32, #tpu.memory_space<vmem>>
        %dma_start3A_1185 = tpu.memref_squeeze %dma_start3A_1184 : memref<1x128xi32, #tpu.memory_space<vmem>> -> memref<128xi32, #tpu.memory_space<vmem>>
        %dma_start3A_1186 = arith.constant 0 : i32
        %dma_start3A_1187 = arith.constant 0 : i32
        %dma_start3A_1188 = tpu.memref_slice %arg3[%dma_start3A_1186, %dma_start3A_1187] : memref<1000000x64xf32, #tpu.memory_space<hbm>> -> memref<1000000x64xf32, #tpu.memory_space<hbm>>
        tpu.enqueue_indirect_dma source(%dma_start3A_1188 : memref<1000000x64xf32, #tpu.memory_space<hbm>>) target(%dma_start3A_1182 : memref<128x64xf32, #tpu.memory_space<vmem>>) offsets(%dma_start3A_1185 : memref<128xi32, #tpu.memory_space<vmem>>) semaphore(%arg12 : memref<!tpu.dma_semaphore, #tpu.memory_space<semaphore_mem>>)
        %dma_start3A_1189 = arith.constant 0 : i32
        %dma_start3A_1190 = arith.constant 128 : i32
        %dma_start3A_1191 = arith.constant 0 : i32
        %dma_start3A_1192 = tpu.memref_slice %arg6[%dma_start3A_1190, %dma_start3A_1191] : memref<256x64xf32, #tpu.memory_space<vmem>> -> memref<128x64xf32, #tpu.memory_space<vmem>>
        %dma_start3A_1193 = arith.constant 128 : i32
        %dma_start3A_1194 = tpu.memref_slice %arg5[%dma_start3A_1189, %dma_start3A_1193] : memref<2x256xi32, #tpu.memory_space<vmem>> -> memref<1x128xi32, #tpu.memory_space<vmem>>
        %dma_start3A_1195 = tpu.memref_squeeze %dma_start3A_1194 : memref<1x128xi32, #tpu.memory_space<vmem>> -> memref<128xi32, #tpu.memory_space<vmem>>
        %dma_start3A_1196 = arith.constant 0 : i32
        %dma_start3A_1197 = arith.constant 0 : i32
        %dma_start3A_1198 = tpu.memref_slice %arg3[%dma_start3A_1196, %dma_start3A_1197] : memref<1000000x64xf32, #tpu.memory_space<hbm>> -> memref<1000000x64xf32, #tpu.memory_space<hbm>>
        tpu.enqueue_indirect_dma source(%dma_start3A_1198 : memref<1000000x64xf32, #tpu.memory_space<hbm>>) target(%dma_start3A_1192 : memref<128x64xf32, #tpu.memory_space<vmem>>) offsets(%dma_start3A_1195 : memref<128xi32, #tpu.memory_space<vmem>>) semaphore(%arg12 : memref<!tpu.dma_semaphore, #tpu.memory_space<semaphore_mem>>)
      } else {
      }
      %gt3A_740 = arith.constant 0 : i32
      %gt3A_741 = arith.cmpi sgt, %scan3A_223, %gt3A_740 : i32
      %convert_element_type3A_742 = arith.extui %gt3A_741 : i1 to i32
      %cond3A_743 = arith.constant 0 : i32
      %cond3A_744 = arith.cmpi ne, %convert_element_type3A_742, %cond3A_743 : i32
      scf.if %cond3A_744 {
        %dma_wait3A_1165 = arith.constant 0 : i32
        %dma_wait3A_1166 = arith.constant 0 : i32
        %dma_wait3A_1167 = arith.constant 0 : i32
        %dma_wait3A_1168 = arith.constant 0 : i32
        %dma_wait3A_1169 = arith.constant 0 : i32
        %dma_wait3A_1170 = tpu.memref_slice %arg9[%dma_wait3A_1167, %dma_wait3A_1168, %dma_wait3A_1169] : memref<8x8x261xf32, #tpu.memory_space<vmem>> -> memref<8x8x128xf32, #tpu.memory_space<vmem>>
        %dma_wait3A_1171 = arith.constant 0 : i32
        %dma_wait3A_1172 = arith.constant 0 : i32
        %dma_wait3A_1173 = arith.constant 0 : i32
        %dma_wait3A_1174 = tpu.memref_slice %arg4[%dma_wait3A_1165, %dma_wait3A_1171, %dma_wait3A_1166, %dma_wait3A_1172, %dma_wait3A_1173] : memref<200x8x32x8x128xf32, #tpu.memory_space<hbm>> -> memref<1x8x1x8x128xf32, #tpu.memory_space<hbm>>
        %dma_wait3A_1175 = tpu.memref_squeeze %dma_wait3A_1174 : memref<1x8x1x8x128xf32, #tpu.memory_space<hbm>> -> memref<8x8x128xf32, #tpu.memory_space<hbm>>
        %dma_wait3A_1176 = arith.constant 0 : i32
        %dma_wait3A_1177 = arith.constant 0 : i32
        %dma_wait3A_1178 = arith.constant 0 : i32
        %dma_wait3A_1179 = tpu.memref_slice %arg4[%dma_wait3A_1165, %dma_wait3A_1176, %dma_wait3A_1166, %dma_wait3A_1177, %dma_wait3A_1178] : memref<200x8x32x8x128xf32, #tpu.memory_space<hbm>> -> memref<1x8x1x8x128xf32, #tpu.memory_space<hbm>>
        %dma_wait3A_1180 = tpu.memref_squeeze %dma_wait3A_1179 : memref<1x8x1x8x128xf32, #tpu.memory_space<hbm>> -> memref<8x8x128xf32, #tpu.memory_space<hbm>>
        %dma_wait3A_1181 = arith.constant 0 : i32
        %dma_wait3A_1182 = arith.constant 0 : i32
        %dma_wait3A_1183 = arith.constant 0 : i32
        %dma_wait3A_1184 = tpu.memref_slice %arg9[%dma_wait3A_1181, %dma_wait3A_1182, %dma_wait3A_1183] : memref<8x8x261xf32, #tpu.memory_space<vmem>> -> memref<8x8x128xf32, #tpu.memory_space<vmem>>
        tpu.wait_dma2 semaphore(%arg15 : memref<!tpu.dma_semaphore, #tpu.memory_space<semaphore_mem>>) src(%dma_wait3A_1184 : memref<8x8x128xf32, #tpu.memory_space<vmem>>) dst(%dma_wait3A_1180 : memref<8x8x128xf32, #tpu.memory_space<hbm>>)
        %dma_wait3A_1185 = arith.constant 0 : i32
        %dma_wait3A_1186 = arith.constant 1 : i32
        %dma_wait3A_1187 = arith.constant 0 : i32
        %dma_wait3A_1188 = arith.constant 0 : i32
        %dma_wait3A_1189 = arith.constant 128 : i32
        %dma_wait3A_1190 = tpu.memref_slice %arg9[%dma_wait3A_1187, %dma_wait3A_1188, %dma_wait3A_1189] : memref<8x8x261xf32, #tpu.memory_space<vmem>> -> memref<8x8x128xf32, #tpu.memory_space<vmem>>
        %dma_wait3A_1191 = arith.constant 0 : i32
        %dma_wait3A_1192 = arith.constant 0 : i32
        %dma_wait3A_1193 = arith.constant 0 : i32
        %dma_wait3A_1194 = tpu.memref_slice %arg4[%dma_wait3A_1185, %dma_wait3A_1191, %dma_wait3A_1186, %dma_wait3A_1192, %dma_wait3A_1193] : memref<200x8x32x8x128xf32, #tpu.memory_space<hbm>> -> memref<1x8x1x8x128xf32, #tpu.memory_space<hbm>>
        %dma_wait3A_1195 = tpu.memref_squeeze %dma_wait3A_1194 : memref<1x8x1x8x128xf32, #tpu.memory_space<hbm>> -> memref<8x8x128xf32, #tpu.memory_space<hbm>>
        %dma_wait3A_1196 = arith.constant 0 : i32
        %dma_wait3A_1197 = arith.constant 0 : i32
        %dma_wait3A_1198 = arith.constant 0 : i32
        %dma_wait3A_1199 = tpu.memref_slice %arg4[%dma_wait3A_1185, %dma_wait3A_1196, %dma_wait3A_1186, %dma_wait3A_1197, %dma_wait3A_1198] : memref<200x8x32x8x128xf32, #tpu.memory_space<hbm>> -> memref<1x8x1x8x128xf32, #tpu.memory_space<hbm>>
        %dma_wait3A_1200 = tpu.memref_squeeze %dma_wait3A_1199 : memref<1x8x1x8x128xf32, #tpu.memory_space<hbm>> -> memref<8x8x128xf32, #tpu.memory_space<hbm>>
        %dma_wait3A_1201 = arith.constant 0 : i32
        %dma_wait3A_1202 = arith.constant 0 : i32
        %dma_wait3A_1203 = arith.constant 128 : i32
        %dma_wait3A_1204 = tpu.memref_slice %arg9[%dma_wait3A_1201, %dma_wait3A_1202, %dma_wait3A_1203] : memref<8x8x261xf32, #tpu.memory_space<vmem>> -> memref<8x8x128xf32, #tpu.memory_space<vmem>>
        tpu.wait_dma2 semaphore(%arg15 : memref<!tpu.dma_semaphore, #tpu.memory_space<semaphore_mem>>) src(%dma_wait3A_1204 : memref<8x8x128xf32, #tpu.memory_space<vmem>>) dst(%dma_wait3A_1200 : memref<8x8x128xf32, #tpu.memory_space<hbm>>)
      } else {
      }
      %iota3A_745 = tpu.iota {dimensions = array<i32: 0>} : vector<16xi32>
      %add3A_746 = arith.constant 0 : i32
      %add3A_747 = vector.broadcast %add3A_746 : i32 to vector<16xi32>
      %add3A_748 = arith.addi %iota3A_745, %add3A_747 : vector<16xi32>
      %jit3A_749 = arith.constant 8 : i32
      %div3A_750 = vector.broadcast %jit3A_749 : i32 to vector<16xi32>
      %div3A_751 = arith.divsi %add3A_748, %div3A_750 : vector<16xi32>
      %sign3A_752 = arith.constant 0 : i32
      %sign3A_753 = vector.broadcast %sign3A_752 : i32 to vector<16xi32>
      %sign3A_754 = arith.cmpi sgt, %add3A_748, %sign3A_753 : vector<16xi32>
      %sign3A_755 = arith.extui %sign3A_754 : vector<16xi1> to vector<16xi32>
      %sign3A_756 = arith.constant 0 : i32
      %sign3A_757 = vector.broadcast %sign3A_756 : i32 to vector<16xi32>
      %sign3A_758 = arith.cmpi slt, %add3A_748, %sign3A_757 : vector<16xi32>
      %sign3A_759 = arith.extui %sign3A_758 : vector<16xi1> to vector<16xi32>
      %sign3A_760 = arith.subi %sign3A_755, %sign3A_759 : vector<16xi32>
      %sign3A_761 = arith.constant 0 : i32
      %sign3A_762 = arith.cmpi sgt, %jit3A_749, %sign3A_761 : i32
      %sign3A_763 = arith.extui %sign3A_762 : i1 to i32
      %sign3A_764 = arith.constant 0 : i32
      %sign3A_765 = arith.cmpi slt, %jit3A_749, %sign3A_764 : i32
      %sign3A_766 = arith.extui %sign3A_765 : i1 to i32
      %sign3A_767 = arith.subi %sign3A_763, %sign3A_766 : i32
      %ne3A_768 = vector.broadcast %sign3A_767 : i32 to vector<16xi32>
      %ne3A_769 = arith.cmpi ne, %sign3A_760, %ne3A_768 : vector<16xi32>
      %rem3A_770 = vector.broadcast %jit3A_749 : i32 to vector<16xi32>
      %rem3A_771 = arith.remsi %add3A_748, %rem3A_770 : vector<16xi32>
      %ne3A_772 = arith.constant 0 : i32
      %ne3A_773 = vector.broadcast %ne3A_772 : i32 to vector<16xi32>
      %ne3A_774 = arith.cmpi ne, %rem3A_771, %ne3A_773 : vector<16xi32>
      %and3A_775 = arith.andi %ne3A_769, %ne3A_774 : vector<16xi1>
      %sub3A_776 = arith.constant 1 : i32
      %sub3A_777 = vector.broadcast %sub3A_776 : i32 to vector<16xi32>
      %sub3A_778 = arith.subi %div3A_751, %sub3A_777 : vector<16xi32>
      %select_n3A_779 = arith.select %and3A_775, %sub3A_778, %div3A_751 : vector<16xi1>, vector<16xi32>
      %add3A_780 = arith.constant 16 : i32
      %add3A_781 = vector.broadcast %add3A_780 : i32 to vector<16xi32>
      %add3A_782 = arith.addi %iota3A_745, %add3A_781 : vector<16xi32>
      %jit3A_783 = arith.constant 8 : i32
      %div3A_784 = vector.broadcast %jit3A_783 : i32 to vector<16xi32>
      %div3A_785 = arith.divsi %add3A_782, %div3A_784 : vector<16xi32>
      %sign3A_786 = arith.constant 0 : i32
      %sign3A_787 = vector.broadcast %sign3A_786 : i32 to vector<16xi32>
      %sign3A_788 = arith.cmpi sgt, %add3A_782, %sign3A_787 : vector<16xi32>
      %sign3A_789 = arith.extui %sign3A_788 : vector<16xi1> to vector<16xi32>
      %sign3A_790 = arith.constant 0 : i32
      %sign3A_791 = vector.broadcast %sign3A_790 : i32 to vector<16xi32>
      %sign3A_792 = arith.cmpi slt, %add3A_782, %sign3A_791 : vector<16xi32>
      %sign3A_793 = arith.extui %sign3A_792 : vector<16xi1> to vector<16xi32>
      %sign3A_794 = arith.subi %sign3A_789, %sign3A_793 : vector<16xi32>
      %sign3A_795 = arith.constant 0 : i32
      %sign3A_796 = arith.cmpi sgt, %jit3A_783, %sign3A_795 : i32
      %sign3A_797 = arith.extui %sign3A_796 : i1 to i32
      %sign3A_798 = arith.constant 0 : i32
      %sign3A_799 = arith.cmpi slt, %jit3A_783, %sign3A_798 : i32
      %sign3A_800 = arith.extui %sign3A_799 : i1 to i32
      %sign3A_801 = arith.subi %sign3A_797, %sign3A_800 : i32
      %ne3A_802 = vector.broadcast %sign3A_801 : i32 to vector<16xi32>
      %ne3A_803 = arith.cmpi ne, %sign3A_794, %ne3A_802 : vector<16xi32>
      %rem3A_804 = vector.broadcast %jit3A_783 : i32 to vector<16xi32>
      %rem3A_805 = arith.remsi %add3A_782, %rem3A_804 : vector<16xi32>
      %ne3A_806 = arith.constant 0 : i32
      %ne3A_807 = vector.broadcast %ne3A_806 : i32 to vector<16xi32>
      %ne3A_808 = arith.cmpi ne, %rem3A_805, %ne3A_807 : vector<16xi32>
      %and3A_809 = arith.andi %ne3A_803, %ne3A_808 : vector<16xi1>
      %sub3A_810 = arith.constant 1 : i32
      %sub3A_811 = vector.broadcast %sub3A_810 : i32 to vector<16xi32>
      %sub3A_812 = arith.subi %div3A_785, %sub3A_811 : vector<16xi32>
      %select_n3A_813 = arith.select %and3A_809, %sub3A_812, %div3A_785 : vector<16xi1>, vector<16xi32>
      %add3A_814 = arith.constant 32 : i32
      %add3A_815 = vector.broadcast %add3A_814 : i32 to vector<16xi32>
      %add3A_816 = arith.addi %iota3A_745, %add3A_815 : vector<16xi32>
      %jit3A_817 = arith.constant 8 : i32
      %div3A_818 = vector.broadcast %jit3A_817 : i32 to vector<16xi32>
      %div3A_819 = arith.divsi %add3A_816, %div3A_818 : vector<16xi32>
      %sign3A_820 = arith.constant 0 : i32
      %sign3A_821 = vector.broadcast %sign3A_820 : i32 to vector<16xi32>
      %sign3A_822 = arith.cmpi sgt, %add3A_816, %sign3A_821 : vector<16xi32>
      %sign3A_823 = arith.extui %sign3A_822 : vector<16xi1> to vector<16xi32>
      %sign3A_824 = arith.constant 0 : i32
      %sign3A_825 = vector.broadcast %sign3A_824 : i32 to vector<16xi32>
      %sign3A_826 = arith.cmpi slt, %add3A_816, %sign3A_825 : vector<16xi32>
      %sign3A_827 = arith.extui %sign3A_826 : vector<16xi1> to vector<16xi32>
      %sign3A_828 = arith.subi %sign3A_823, %sign3A_827 : vector<16xi32>
      %sign3A_829 = arith.constant 0 : i32
      %sign3A_830 = arith.cmpi sgt, %jit3A_817, %sign3A_829 : i32
      %sign3A_831 = arith.extui %sign3A_830 : i1 to i32
      %sign3A_832 = arith.constant 0 : i32
      %sign3A_833 = arith.cmpi slt, %jit3A_817, %sign3A_832 : i32
      %sign3A_834 = arith.extui %sign3A_833 : i1 to i32
      %sign3A_835 = arith.subi %sign3A_831, %sign3A_834 : i32
      %ne3A_836 = vector.broadcast %sign3A_835 : i32 to vector<16xi32>
      %ne3A_837 = arith.cmpi ne, %sign3A_828, %ne3A_836 : vector<16xi32>
      %rem3A_838 = vector.broadcast %jit3A_817 : i32 to vector<16xi32>
      %rem3A_839 = arith.remsi %add3A_816, %rem3A_838 : vector<16xi32>
      %ne3A_840 = arith.constant 0 : i32
      %ne3A_841 = vector.broadcast %ne3A_840 : i32 to vector<16xi32>
      %ne3A_842 = arith.cmpi ne, %rem3A_839, %ne3A_841 : vector<16xi32>
      %and3A_843 = arith.andi %ne3A_837, %ne3A_842 : vector<16xi1>
      %sub3A_844 = arith.constant 1 : i32
      %sub3A_845 = vector.broadcast %sub3A_844 : i32 to vector<16xi32>
      %sub3A_846 = arith.subi %div3A_819, %sub3A_845 : vector<16xi32>
      %select_n3A_847 = arith.select %and3A_843, %sub3A_846, %div3A_819 : vector<16xi1>, vector<16xi32>
      %add3A_848 = arith.constant 48 : i32
      %add3A_849 = vector.broadcast %add3A_848 : i32 to vector<16xi32>
      %add3A_850 = arith.addi %iota3A_745, %add3A_849 : vector<16xi32>
      %jit3A_851 = arith.constant 8 : i32
      %div3A_852 = vector.broadcast %jit3A_851 : i32 to vector<16xi32>
      %div3A_853 = arith.divsi %add3A_850, %div3A_852 : vector<16xi32>
      %sign3A_854 = arith.constant 0 : i32
      %sign3A_855 = vector.broadcast %sign3A_854 : i32 to vector<16xi32>
      %sign3A_856 = arith.cmpi sgt, %add3A_850, %sign3A_855 : vector<16xi32>
      %sign3A_857 = arith.extui %sign3A_856 : vector<16xi1> to vector<16xi32>
      %sign3A_858 = arith.constant 0 : i32
      %sign3A_859 = vector.broadcast %sign3A_858 : i32 to vector<16xi32>
      %sign3A_860 = arith.cmpi slt, %add3A_850, %sign3A_859 : vector<16xi32>
      %sign3A_861 = arith.extui %sign3A_860 : vector<16xi1> to vector<16xi32>
      %sign3A_862 = arith.subi %sign3A_857, %sign3A_861 : vector<16xi32>
      %sign3A_863 = arith.constant 0 : i32
      %sign3A_864 = arith.cmpi sgt, %jit3A_851, %sign3A_863 : i32
      %sign3A_865 = arith.extui %sign3A_864 : i1 to i32
      %sign3A_866 = arith.constant 0 : i32
      %sign3A_867 = arith.cmpi slt, %jit3A_851, %sign3A_866 : i32
      %sign3A_868 = arith.extui %sign3A_867 : i1 to i32
      %sign3A_869 = arith.subi %sign3A_865, %sign3A_868 : i32
      %ne3A_870 = vector.broadcast %sign3A_869 : i32 to vector<16xi32>
      %ne3A_871 = arith.cmpi ne, %sign3A_862, %ne3A_870 : vector<16xi32>
      %rem3A_872 = vector.broadcast %jit3A_851 : i32 to vector<16xi32>
      %rem3A_873 = arith.remsi %add3A_850, %rem3A_872 : vector<16xi32>
      %ne3A_874 = arith.constant 0 : i32
      %ne3A_875 = vector.broadcast %ne3A_874 : i32 to vector<16xi32>
      %ne3A_876 = arith.cmpi ne, %rem3A_873, %ne3A_875 : vector<16xi32>
      %and3A_877 = arith.andi %ne3A_871, %ne3A_876 : vector<16xi1>
      %sub3A_878 = arith.constant 1 : i32
      %sub3A_879 = vector.broadcast %sub3A_878 : i32 to vector<16xi32>
      %sub3A_880 = arith.subi %div3A_853, %sub3A_879 : vector<16xi32>
      %select_n3A_881 = arith.select %and3A_877, %sub3A_880, %div3A_853 : vector<16xi1>, vector<16xi32>
      %add3A_882 = arith.constant 0 : i32
      %add3A_883 = vector.broadcast %add3A_882 : i32 to vector<16xi32>
      %add3A_884 = arith.addi %iota3A_745, %add3A_883 : vector<16xi32>
      %jit3A_885 = arith.constant 8 : i32
      %eq3A_886 = arith.constant 0 : i32
      %eq3A_887 = arith.cmpi eq, %jit3A_885, %eq3A_886 : i32
      %jit3A_888 = arith.constant 1 : i32
      %select_n3A_889 = arith.select %eq3A_887, %jit3A_888, %jit3A_885 : i32
      %rem3A_890 = vector.broadcast %select_n3A_889 : i32 to vector<16xi32>
      %rem3A_891 = arith.remsi %add3A_884, %rem3A_890 : vector<16xi32>
      %ne3A_892 = arith.constant 0 : i32
      %ne3A_893 = vector.broadcast %ne3A_892 : i32 to vector<16xi32>
      %ne3A_894 = arith.cmpi ne, %rem3A_891, %ne3A_893 : vector<16xi32>
      %lt3A_895 = arith.constant 0 : i32
      %lt3A_896 = vector.broadcast %lt3A_895 : i32 to vector<16xi32>
      %lt3A_897 = arith.cmpi slt, %rem3A_891, %lt3A_896 : vector<16xi32>
      %lt3A_898 = arith.constant 0 : i32
      %lt3A_899 = arith.cmpi slt, %select_n3A_889, %lt3A_898 : i32
      %ne3A_900 = vector.broadcast %lt3A_899 : i1 to vector<16xi1>
      %ne3A_901 = vector.broadcast %ne3A_900 : vector<16xi1> to vector<16xi1>
      %ne3A_902 = arith.xori %lt3A_897, %ne3A_901 : vector<16xi1>
      %and3A_903 = arith.andi %ne3A_902, %ne3A_894 : vector<16xi1>
      %add3A_904 = vector.broadcast %select_n3A_889 : i32 to vector<16xi32>
      %add3A_905 = arith.addi %rem3A_891, %add3A_904 : vector<16xi32>
      %select_n3A_906 = arith.select %and3A_903, %add3A_905, %rem3A_891 : vector<16xi1>, vector<16xi32>
      %add3A_907 = arith.constant 16 : i32
      %add3A_908 = vector.broadcast %add3A_907 : i32 to vector<16xi32>
      %add3A_909 = arith.addi %iota3A_745, %add3A_908 : vector<16xi32>
      %jit3A_910 = arith.constant 8 : i32
      %eq3A_911 = arith.constant 0 : i32
      %eq3A_912 = arith.cmpi eq, %jit3A_910, %eq3A_911 : i32
      %jit3A_913 = arith.constant 1 : i32
      %select_n3A_914 = arith.select %eq3A_912, %jit3A_913, %jit3A_910 : i32
      %rem3A_915 = vector.broadcast %select_n3A_914 : i32 to vector<16xi32>
      %rem3A_916 = arith.remsi %add3A_909, %rem3A_915 : vector<16xi32>
      %ne3A_917 = arith.constant 0 : i32
      %ne3A_918 = vector.broadcast %ne3A_917 : i32 to vector<16xi32>
      %ne3A_919 = arith.cmpi ne, %rem3A_916, %ne3A_918 : vector<16xi32>
      %lt3A_920 = arith.constant 0 : i32
      %lt3A_921 = vector.broadcast %lt3A_920 : i32 to vector<16xi32>
      %lt3A_922 = arith.cmpi slt, %rem3A_916, %lt3A_921 : vector<16xi32>
      %lt3A_923 = arith.constant 0 : i32
      %lt3A_924 = arith.cmpi slt, %select_n3A_914, %lt3A_923 : i32
      %ne3A_925 = vector.broadcast %lt3A_924 : i1 to vector<16xi1>
      %ne3A_926 = vector.broadcast %ne3A_925 : vector<16xi1> to vector<16xi1>
      %ne3A_927 = arith.xori %lt3A_922, %ne3A_926 : vector<16xi1>
      %and3A_928 = arith.andi %ne3A_927, %ne3A_919 : vector<16xi1>
      %add3A_929 = vector.broadcast %select_n3A_914 : i32 to vector<16xi32>
      %add3A_930 = arith.addi %rem3A_916, %add3A_929 : vector<16xi32>
      %select_n3A_931 = arith.select %and3A_928, %add3A_930, %rem3A_916 : vector<16xi1>, vector<16xi32>
      %add3A_932 = arith.constant 32 : i32
      %add3A_933 = vector.broadcast %add3A_932 : i32 to vector<16xi32>
      %add3A_934 = arith.addi %iota3A_745, %add3A_933 : vector<16xi32>
      %jit3A_935 = arith.constant 8 : i32
      %eq3A_936 = arith.constant 0 : i32
      %eq3A_937 = arith.cmpi eq, %jit3A_935, %eq3A_936 : i32
      %jit3A_938 = arith.constant 1 : i32
      %select_n3A_939 = arith.select %eq3A_937, %jit3A_938, %jit3A_935 : i32
      %rem3A_940 = vector.broadcast %select_n3A_939 : i32 to vector<16xi32>
      %rem3A_941 = arith.remsi %add3A_934, %rem3A_940 : vector<16xi32>
      %ne3A_942 = arith.constant 0 : i32
      %ne3A_943 = vector.broadcast %ne3A_942 : i32 to vector<16xi32>
      %ne3A_944 = arith.cmpi ne, %rem3A_941, %ne3A_943 : vector<16xi32>
      %lt3A_945 = arith.constant 0 : i32
      %lt3A_946 = vector.broadcast %lt3A_945 : i32 to vector<16xi32>
      %lt3A_947 = arith.cmpi slt, %rem3A_941, %lt3A_946 : vector<16xi32>
      %lt3A_948 = arith.constant 0 : i32
      %lt3A_949 = arith.cmpi slt, %select_n3A_939, %lt3A_948 : i32
      %ne3A_950 = vector.broadcast %lt3A_949 : i1 to vector<16xi1>
      %ne3A_951 = vector.broadcast %ne3A_950 : vector<16xi1> to vector<16xi1>
      %ne3A_952 = arith.xori %lt3A_947, %ne3A_951 : vector<16xi1>
      %and3A_953 = arith.andi %ne3A_952, %ne3A_944 : vector<16xi1>
      %add3A_954 = vector.broadcast %select_n3A_939 : i32 to vector<16xi32>
      %add3A_955 = arith.addi %rem3A_941, %add3A_954 : vector<16xi32>
      %select_n3A_956 = arith.select %and3A_953, %add3A_955, %rem3A_941 : vector<16xi1>, vector<16xi32>
      %add3A_957 = arith.constant 48 : i32
      %add3A_958 = vector.broadcast %add3A_957 : i32 to vector<16xi32>
      %add3A_959 = arith.addi %iota3A_745, %add3A_958 : vector<16xi32>
      %jit3A_960 = arith.constant 8 : i32
      %eq3A_961 = arith.constant 0 : i32
      %eq3A_962 = arith.cmpi eq, %jit3A_960, %eq3A_961 : i32
      %jit3A_963 = arith.constant 1 : i32
      %select_n3A_964 = arith.select %eq3A_962, %jit3A_963, %jit3A_960 : i32
      %rem3A_965 = vector.broadcast %select_n3A_964 : i32 to vector<16xi32>
      %rem3A_966 = arith.remsi %add3A_959, %rem3A_965 : vector<16xi32>
      %ne3A_967 = arith.constant 0 : i32
      %ne3A_968 = vector.broadcast %ne3A_967 : i32 to vector<16xi32>
      %ne3A_969 = arith.cmpi ne, %rem3A_966, %ne3A_968 : vector<16xi32>
      %lt3A_970 = arith.constant 0 : i32
      %lt3A_971 = vector.broadcast %lt3A_970 : i32 to vector<16xi32>
      %lt3A_972 = arith.cmpi slt, %rem3A_966, %lt3A_971 : vector<16xi32>
      %lt3A_973 = arith.constant 0 : i32
      %lt3A_974 = arith.cmpi slt, %select_n3A_964, %lt3A_973 : i32
      %ne3A_975 = vector.broadcast %lt3A_974 : i1 to vector<16xi1>
      %ne3A_976 = vector.broadcast %ne3A_975 : vector<16xi1> to vector<16xi1>
      %ne3A_977 = arith.xori %lt3A_972, %ne3A_976 : vector<16xi1>
      %and3A_978 = arith.andi %ne3A_977, %ne3A_969 : vector<16xi1>
      %add3A_979 = vector.broadcast %select_n3A_964 : i32 to vector<16xi32>
      %add3A_980 = arith.addi %rem3A_966, %add3A_979 : vector<16xi32>
      %select_n3A_981 = arith.select %and3A_978, %add3A_980, %rem3A_966 : vector<16xi1>, vector<16xi32>
      %scan3A_982 = arith.constant 0 : i32
      %scan3A_983 = arith.constant 64 : i32
      %scan3A_984 = arith.addi %scan3A_982, %scan3A_983 : i32
      %scan3A_985 = arith.constant 1 : i32
      scf.for %scan3A_1165 = %scan3A_982 to %scan3A_984 step %scan3A_985  : i32 {
        %mul3A_1166 = arith.constant 4 : i32
        %mul3A_1167 = arith.muli %scan3A_1165, %mul3A_1166 : i32
        %add3A_1168 = arith.constant 0 : i32
        %add3A_1169 = arith.addi %mul3A_1167, %add3A_1168 : i32
        %broadcast_in_dim3A = vector.broadcast %add3A_1169 : i32 to vector<16xi32>
        %get3A = arith.index_cast %add3A_1169 : i32 to index
        %get3A_1170 = arith.constant 0 : index
        %get3A_1171 = tpu.vector_load %arg7[%get3A, %get3A_1170] {strides = array<i32>} : memref<256x64xf32, #tpu.memory_space<vmem>>, vector<16xf32>,
        tpu.vector_store_idx %arg9[%select_n3A_779, %select_n3A_906, %broadcast_in_dim3A], %get3A_1171 : memref<8x8x261xf32, #tpu.memory_space<vmem>>[vector<16xi32>, vector<16xi32>, vector<16xi32>], vector<16xf32>,
        %get3A_1172 = arith.index_cast %add3A_1169 : i32 to index
        %get3A_1173 = arith.constant 16 : index
        %get3A_1174 = tpu.vector_load %arg7[%get3A_1172, %get3A_1173] {strides = array<i32>} : memref<256x64xf32, #tpu.memory_space<vmem>>, vector<16xf32>,
        tpu.vector_store_idx %arg9[%select_n3A_813, %select_n3A_931, %broadcast_in_dim3A], %get3A_1174 : memref<8x8x261xf32, #tpu.memory_space<vmem>>[vector<16xi32>, vector<16xi32>, vector<16xi32>], vector<16xf32>,
        %get3A_1175 = arith.index_cast %add3A_1169 : i32 to index
        %get3A_1176 = arith.constant 32 : index
        %get3A_1177 = tpu.vector_load %arg7[%get3A_1175, %get3A_1176] {strides = array<i32>} : memref<256x64xf32, #tpu.memory_space<vmem>>, vector<16xf32>,
        tpu.vector_store_idx %arg9[%select_n3A_847, %select_n3A_956, %broadcast_in_dim3A], %get3A_1177 : memref<8x8x261xf32, #tpu.memory_space<vmem>>[vector<16xi32>, vector<16xi32>, vector<16xi32>], vector<16xf32>,
        %get3A_1178 = arith.index_cast %add3A_1169 : i32 to index
        %get3A_1179 = arith.constant 48 : index
        %get3A_1180 = tpu.vector_load %arg7[%get3A_1178, %get3A_1179] {strides = array<i32>} : memref<256x64xf32, #tpu.memory_space<vmem>>, vector<16xf32>,
        tpu.vector_store_idx %arg9[%select_n3A_881, %select_n3A_981, %broadcast_in_dim3A], %get3A_1180 : memref<8x8x261xf32, #tpu.memory_space<vmem>>[vector<16xi32>, vector<16xi32>, vector<16xi32>], vector<16xf32>,
        %mul3A_1181 = arith.constant 4 : i32
        %mul3A_1182 = arith.muli %scan3A_1165, %mul3A_1181 : i32
        %add3A_1183 = arith.constant 1 : i32
        %add3A_1184 = arith.addi %mul3A_1182, %add3A_1183 : i32
        %broadcast_in_dim3A_1185 = vector.broadcast %add3A_1184 : i32 to vector<16xi32>
        %get3A_1186 = arith.index_cast %add3A_1184 : i32 to index
        %get3A_1187 = arith.constant 0 : index
        %get3A_1188 = tpu.vector_load %arg7[%get3A_1186, %get3A_1187] {strides = array<i32>} : memref<256x64xf32, #tpu.memory_space<vmem>>, vector<16xf32>,
        tpu.vector_store_idx %arg9[%select_n3A_779, %select_n3A_906, %broadcast_in_dim3A_1185], %get3A_1188 : memref<8x8x261xf32, #tpu.memory_space<vmem>>[vector<16xi32>, vector<16xi32>, vector<16xi32>], vector<16xf32>,
        %get3A_1189 = arith.index_cast %add3A_1184 : i32 to index
        %get3A_1190 = arith.constant 16 : index
        %get3A_1191 = tpu.vector_load %arg7[%get3A_1189, %get3A_1190] {strides = array<i32>} : memref<256x64xf32, #tpu.memory_space<vmem>>, vector<16xf32>,
        tpu.vector_store_idx %arg9[%select_n3A_813, %select_n3A_931, %broadcast_in_dim3A_1185], %get3A_1191 : memref<8x8x261xf32, #tpu.memory_space<vmem>>[vector<16xi32>, vector<16xi32>, vector<16xi32>], vector<16xf32>,
        %get3A_1192 = arith.index_cast %add3A_1184 : i32 to index
        %get3A_1193 = arith.constant 32 : index
        %get3A_1194 = tpu.vector_load %arg7[%get3A_1192, %get3A_1193] {strides = array<i32>} : memref<256x64xf32, #tpu.memory_space<vmem>>, vector<16xf32>,
        tpu.vector_store_idx %arg9[%select_n3A_847, %select_n3A_956, %broadcast_in_dim3A_1185], %get3A_1194 : memref<8x8x261xf32, #tpu.memory_space<vmem>>[vector<16xi32>, vector<16xi32>, vector<16xi32>], vector<16xf32>,
        %get3A_1195 = arith.index_cast %add3A_1184 : i32 to index
        %get3A_1196 = arith.constant 48 : index
        %get3A_1197 = tpu.vector_load %arg7[%get3A_1195, %get3A_1196] {strides = array<i32>} : memref<256x64xf32, #tpu.memory_space<vmem>>, vector<16xf32>,
        tpu.vector_store_idx %arg9[%select_n3A_881, %select_n3A_981, %broadcast_in_dim3A_1185], %get3A_1197 : memref<8x8x261xf32, #tpu.memory_space<vmem>>[vector<16xi32>, vector<16xi32>, vector<16xi32>], vector<16xf32>,
        %mul3A_1198 = arith.constant 4 : i32
        %mul3A_1199 = arith.muli %scan3A_1165, %mul3A_1198 : i32
        %add3A_1200 = arith.constant 2 : i32
        %add3A_1201 = arith.addi %mul3A_1199, %add3A_1200 : i32
        %broadcast_in_dim3A_1202 = vector.broadcast %add3A_1201 : i32 to vector<16xi32>
        %get3A_1203 = arith.index_cast %add3A_1201 : i32 to index
        %get3A_1204 = arith.constant 0 : index
        %get3A_1205 = tpu.vector_load %arg7[%get3A_1203, %get3A_1204] {strides = array<i32>} : memref<256x64xf32, #tpu.memory_space<vmem>>, vector<16xf32>,
        tpu.vector_store_idx %arg9[%select_n3A_779, %select_n3A_906, %broadcast_in_dim3A_1202], %get3A_1205 : memref<8x8x261xf32, #tpu.memory_space<vmem>>[vector<16xi32>, vector<16xi32>, vector<16xi32>], vector<16xf32>,
        %get3A_1206 = arith.index_cast %add3A_1201 : i32 to index
        %get3A_1207 = arith.constant 16 : index
        %get3A_1208 = tpu.vector_load %arg7[%get3A_1206, %get3A_1207] {strides = array<i32>} : memref<256x64xf32, #tpu.memory_space<vmem>>, vector<16xf32>,
        tpu.vector_store_idx %arg9[%select_n3A_813, %select_n3A_931, %broadcast_in_dim3A_1202], %get3A_1208 : memref<8x8x261xf32, #tpu.memory_space<vmem>>[vector<16xi32>, vector<16xi32>, vector<16xi32>], vector<16xf32>,
        %get3A_1209 = arith.index_cast %add3A_1201 : i32 to index
        %get3A_1210 = arith.constant 32 : index
        %get3A_1211 = tpu.vector_load %arg7[%get3A_1209, %get3A_1210] {strides = array<i32>} : memref<256x64xf32, #tpu.memory_space<vmem>>, vector<16xf32>,
        tpu.vector_store_idx %arg9[%select_n3A_847, %select_n3A_956, %broadcast_in_dim3A_1202], %get3A_1211 : memref<8x8x261xf32, #tpu.memory_space<vmem>>[vector<16xi32>, vector<16xi32>, vector<16xi32>], vector<16xf32>,
        %get3A_1212 = arith.index_cast %add3A_1201 : i32 to index
        %get3A_1213 = arith.constant 48 : index
        %get3A_1214 = tpu.vector_load %arg7[%get3A_1212, %get3A_1213] {strides = array<i32>} : memref<256x64xf32, #tpu.memory_space<vmem>>, vector<16xf32>,
        tpu.vector_store_idx %arg9[%select_n3A_881, %select_n3A_981, %broadcast_in_dim3A_1202], %get3A_1214 : memref<8x8x261xf32, #tpu.memory_space<vmem>>[vector<16xi32>, vector<16xi32>, vector<16xi32>], vector<16xf32>,
        %mul3A_1215 = arith.constant 4 : i32
        %mul3A_1216 = arith.muli %scan3A_1165, %mul3A_1215 : i32
        %add3A_1217 = arith.constant 3 : i32
        %add3A_1218 = arith.addi %mul3A_1216, %add3A_1217 : i32
        %broadcast_in_dim3A_1219 = vector.broadcast %add3A_1218 : i32 to vector<16xi32>
        %get3A_1220 = arith.index_cast %add3A_1218 : i32 to index
        %get3A_1221 = arith.constant 0 : index
        %get3A_1222 = tpu.vector_load %arg7[%get3A_1220, %get3A_1221] {strides = array<i32>} : memref<256x64xf32, #tpu.memory_space<vmem>>, vector<16xf32>,
        tpu.vector_store_idx %arg9[%select_n3A_779, %select_n3A_906, %broadcast_in_dim3A_1219], %get3A_1222 : memref<8x8x261xf32, #tpu.memory_space<vmem>>[vector<16xi32>, vector<16xi32>, vector<16xi32>], vector<16xf32>,
        %get3A_1223 = arith.index_cast %add3A_1218 : i32 to index
        %get3A_1224 = arith.constant 16 : index
        %get3A_1225 = tpu.vector_load %arg7[%get3A_1223, %get3A_1224] {strides = array<i32>} : memref<256x64xf32, #tpu.memory_space<vmem>>, vector<16xf32>,
        tpu.vector_store_idx %arg9[%select_n3A_813, %select_n3A_931, %broadcast_in_dim3A_1219], %get3A_1225 : memref<8x8x261xf32, #tpu.memory_space<vmem>>[vector<16xi32>, vector<16xi32>, vector<16xi32>], vector<16xf32>,
        %get3A_1226 = arith.index_cast %add3A_1218 : i32 to index
        %get3A_1227 = arith.constant 32 : index
        %get3A_1228 = tpu.vector_load %arg7[%get3A_1226, %get3A_1227] {strides = array<i32>} : memref<256x64xf32, #tpu.memory_space<vmem>>, vector<16xf32>,
        tpu.vector_store_idx %arg9[%select_n3A_847, %select_n3A_956, %broadcast_in_dim3A_1219], %get3A_1228 : memref<8x8x261xf32, #tpu.memory_space<vmem>>[vector<16xi32>, vector<16xi32>, vector<16xi32>], vector<16xf32>,
        %get3A_1229 = arith.index_cast %add3A_1218 : i32 to index
        %get3A_1230 = arith.constant 48 : index
        %get3A_1231 = tpu.vector_load %arg7[%get3A_1229, %get3A_1230] {strides = array<i32>} : memref<256x64xf32, #tpu.memory_space<vmem>>, vector<16xf32>,
        tpu.vector_store_idx %arg9[%select_n3A_881, %select_n3A_981, %broadcast_in_dim3A_1219], %get3A_1231 : memref<8x8x261xf32, #tpu.memory_space<vmem>>[vector<16xi32>, vector<16xi32>, vector<16xi32>], vector<16xf32>,
      }
      %scan3A_986 = arith.constant 64 : i32
      %add3A_987 = arith.constant 1 : i32
      %add3A_988 = arith.addi %mul3A_225, %add3A_987 : i32
      %add3A_989 = arith.addi %mul3A_2, %add3A_988 : i32
      %jit3A_990 = arith.constant 16 : i32
      %div3A_991 = arith.divsi %add3A_989, %jit3A_990 : i32
      %sign3A_992 = arith.constant 0 : i32
      %sign3A_993 = arith.cmpi sgt, %add3A_989, %sign3A_992 : i32
      %sign3A_994 = arith.extui %sign3A_993 : i1 to i32
      %sign3A_995 = arith.constant 0 : i32
      %sign3A_996 = arith.cmpi slt, %add3A_989, %sign3A_995 : i32
      %sign3A_997 = arith.extui %sign3A_996 : i1 to i32
      %sign3A_998 = arith.subi %sign3A_994, %sign3A_997 : i32
      %sign3A_999 = arith.constant 0 : i32
      %sign3A_1000 = arith.cmpi sgt, %jit3A_990, %sign3A_999 : i32
      %sign3A_1001 = arith.extui %sign3A_1000 : i1 to i32
      %sign3A_1002 = arith.constant 0 : i32
      %sign3A_1003 = arith.cmpi slt, %jit3A_990, %sign3A_1002 : i32
      %sign3A_1004 = arith.extui %sign3A_1003 : i1 to i32
      %sign3A_1005 = arith.subi %sign3A_1001, %sign3A_1004 : i32
      %ne3A_1006 = arith.cmpi ne, %sign3A_998, %sign3A_1005 : i32
      %rem3A_1007 = arith.remsi %add3A_989, %jit3A_990 : i32
      %ne3A_1008 = arith.constant 0 : i32
      %ne3A_1009 = arith.cmpi ne, %rem3A_1007, %ne3A_1008 : i32
      %and3A_1010 = arith.andi %ne3A_1006, %ne3A_1009 : i1
      %sub3A_1011 = arith.constant 1 : i32
      %sub3A_1012 = arith.subi %div3A_991, %sub3A_1011 : i32
      %select_n3A_1013 = arith.select %and3A_1010, %sub3A_1012, %div3A_991 : i32
      %add3A_1014 = arith.addi %mul3A_2, %add3A_988 : i32
      %jit3A_1015 = arith.constant 16 : i32
      %eq3A_1016 = arith.constant 0 : i32
      %eq3A_1017 = arith.cmpi eq, %jit3A_1015, %eq3A_1016 : i32
      %jit3A_1018 = arith.constant 1 : i32
      %select_n3A_1019 = arith.select %eq3A_1017, %jit3A_1018, %jit3A_1015 : i32
      %rem3A_1020 = arith.remsi %add3A_1014, %select_n3A_1019 : i32
      %ne3A_1021 = arith.constant 0 : i32
      %ne3A_1022 = arith.cmpi ne, %rem3A_1020, %ne3A_1021 : i32
      %lt3A_1023 = arith.constant 0 : i32
      %lt3A_1024 = arith.cmpi slt, %rem3A_1020, %lt3A_1023 : i32
      %lt3A_1025 = arith.constant 0 : i32
      %lt3A_1026 = arith.cmpi slt, %select_n3A_1019, %lt3A_1025 : i32
      %ne3A_1027 = arith.xori %lt3A_1024, %lt3A_1026 : i1
      %and3A_1028 = arith.andi %ne3A_1027, %ne3A_1022 : i1
      %add3A_1029 = arith.addi %rem3A_1020, %select_n3A_1019 : i32
      %select_n3A_1030 = arith.select %and3A_1028, %add3A_1029, %rem3A_1020 : i32
      %mul3A_1031 = arith.constant 256 : i32
      %mul3A_1032 = arith.muli %select_n3A_1030, %mul3A_1031 : i32
      %jit3A_1033 = arith.constant 128 : i32
      %div3A_1034 = arith.divsi %mul3A_1032, %jit3A_1033 : i32
      %sign3A_1035 = arith.constant 0 : i32
      %sign3A_1036 = arith.cmpi sgt, %mul3A_1032, %sign3A_1035 : i32
      %sign3A_1037 = arith.extui %sign3A_1036 : i1 to i32
      %sign3A_1038 = arith.constant 0 : i32
      %sign3A_1039 = arith.cmpi slt, %mul3A_1032, %sign3A_1038 : i32
      %sign3A_1040 = arith.extui %sign3A_1039 : i1 to i32
      %sign3A_1041 = arith.subi %sign3A_1037, %sign3A_1040 : i32
      %sign3A_1042 = arith.constant 0 : i32
      %sign3A_1043 = arith.cmpi sgt, %jit3A_1033, %sign3A_1042 : i32
      %sign3A_1044 = arith.extui %sign3A_1043 : i1 to i32
      %sign3A_1045 = arith.constant 0 : i32
      %sign3A_1046 = arith.cmpi slt, %jit3A_1033, %sign3A_1045 : i32
      %sign3A_1047 = arith.extui %sign3A_1046 : i1 to i32
      %sign3A_1048 = arith.subi %sign3A_1044, %sign3A_1047 : i32
      %ne3A_1049 = arith.cmpi ne, %sign3A_1041, %sign3A_1048 : i32
      %rem3A_1050 = arith.remsi %mul3A_1032, %jit3A_1033 : i32
      %ne3A_1051 = arith.constant 0 : i32
      %ne3A_1052 = arith.cmpi ne, %rem3A_1050, %ne3A_1051 : i32
      %and3A_1053 = arith.andi %ne3A_1049, %ne3A_1052 : i1
      %sub3A_1054 = arith.constant 1 : i32
      %sub3A_1055 = arith.subi %div3A_1034, %sub3A_1054 : i32
      %select_n3A_1056 = arith.select %and3A_1053, %sub3A_1055, %div3A_1034 : i32
      %add3A_1057 = arith.constant 0 : i32
      %add3A_1058 = arith.addi %select_n3A_1056, %add3A_1057 : i32
      %dma_start3A_1059 = arith.constant 0 : i32
      %dma_start3A_1060 = arith.constant 0 : i32
      %dma_start3A_1061 = arith.constant 0 : i32
      %dma_start3A_1062 = tpu.memref_slice %arg9[%dma_start3A_1059, %dma_start3A_1060, %dma_start3A_1061] : memref<8x8x261xf32, #tpu.memory_space<vmem>> -> memref<8x8x128xf32, #tpu.memory_space<vmem>>
      %dma_start3A_1063 = arith.constant 0 : i32
      %dma_start3A_1064 = arith.constant 0 : i32
      %dma_start3A_1065 = arith.constant 0 : i32
      %dma_start3A_1066 = tpu.memref_slice %arg4[%select_n3A_1013, %dma_start3A_1063, %add3A_1058, %dma_start3A_1064, %dma_start3A_1065] : memref<200x8x32x8x128xf32, #tpu.memory_space<hbm>> -> memref<1x8x1x8x128xf32, #tpu.memory_space<hbm>>
      %dma_start3A_1067 = tpu.memref_squeeze %dma_start3A_1066 : memref<1x8x1x8x128xf32, #tpu.memory_space<hbm>> -> memref<8x8x128xf32, #tpu.memory_space<hbm>>
      %dma_start3A_1068 = arith.constant 0 : i32
      %dma_start3A_1069 = arith.constant 0 : i32
      %dma_start3A_1070 = arith.constant 0 : i32
      %dma_start3A_1071 = tpu.memref_slice %arg4[%select_n3A_1013, %dma_start3A_1068, %add3A_1058, %dma_start3A_1069, %dma_start3A_1070] : memref<200x8x32x8x128xf32, #tpu.memory_space<hbm>> -> memref<1x8x1x8x128xf32, #tpu.memory_space<hbm>>
      %dma_start3A_1072 = tpu.memref_squeeze %dma_start3A_1071 : memref<1x8x1x8x128xf32, #tpu.memory_space<hbm>> -> memref<8x8x128xf32, #tpu.memory_space<hbm>>
      %dma_start3A_1073 = arith.constant 0 : i32
      %dma_start3A_1074 = arith.constant 0 : i32
      %dma_start3A_1075 = arith.constant 0 : i32
      %dma_start3A_1076 = tpu.memref_slice %arg9[%dma_start3A_1073, %dma_start3A_1074, %dma_start3A_1075] : memref<8x8x261xf32, #tpu.memory_space<vmem>> -> memref<8x8x128xf32, #tpu.memory_space<vmem>>
      tpu.enqueue_dma source(%dma_start3A_1076 : memref<8x8x128xf32, #tpu.memory_space<vmem>>) target(%dma_start3A_1072 : memref<8x8x128xf32, #tpu.memory_space<hbm>>) target_semaphore(%arg15 : memref<!tpu.dma_semaphore, #tpu.memory_space<semaphore_mem>>)
      %add3A_1077 = arith.addi %mul3A_2, %add3A_988 : i32
      %jit3A_1078 = arith.constant 16 : i32
      %div3A_1079 = arith.divsi %add3A_1077, %jit3A_1078 : i32
      %sign3A_1080 = arith.constant 0 : i32
      %sign3A_1081 = arith.cmpi sgt, %add3A_1077, %sign3A_1080 : i32
      %sign3A_1082 = arith.extui %sign3A_1081 : i1 to i32
      %sign3A_1083 = arith.constant 0 : i32
      %sign3A_1084 = arith.cmpi slt, %add3A_1077, %sign3A_1083 : i32
      %sign3A_1085 = arith.extui %sign3A_1084 : i1 to i32
      %sign3A_1086 = arith.subi %sign3A_1082, %sign3A_1085 : i32
      %sign3A_1087 = arith.constant 0 : i32
      %sign3A_1088 = arith.cmpi sgt, %jit3A_1078, %sign3A_1087 : i32
      %sign3A_1089 = arith.extui %sign3A_1088 : i1 to i32
      %sign3A_1090 = arith.constant 0 : i32
      %sign3A_1091 = arith.cmpi slt, %jit3A_1078, %sign3A_1090 : i32
      %sign3A_1092 = arith.extui %sign3A_1091 : i1 to i32
      %sign3A_1093 = arith.subi %sign3A_1089, %sign3A_1092 : i32
      %ne3A_1094 = arith.cmpi ne, %sign3A_1086, %sign3A_1093 : i32
      %rem3A_1095 = arith.remsi %add3A_1077, %jit3A_1078 : i32
      %ne3A_1096 = arith.constant 0 : i32
      %ne3A_1097 = arith.cmpi ne, %rem3A_1095, %ne3A_1096 : i32
      %and3A_1098 = arith.andi %ne3A_1094, %ne3A_1097 : i1
      %sub3A_1099 = arith.constant 1 : i32
      %sub3A_1100 = arith.subi %div3A_1079, %sub3A_1099 : i32
      %select_n3A_1101 = arith.select %and3A_1098, %sub3A_1100, %div3A_1079 : i32
      %add3A_1102 = arith.addi %mul3A_2, %add3A_988 : i32
      %jit3A_1103 = arith.constant 16 : i32
      %eq3A_1104 = arith.constant 0 : i32
      %eq3A_1105 = arith.cmpi eq, %jit3A_1103, %eq3A_1104 : i32
      %jit3A_1106 = arith.constant 1 : i32
      %select_n3A_1107 = arith.select %eq3A_1105, %jit3A_1106, %jit3A_1103 : i32
      %rem3A_1108 = arith.remsi %add3A_1102, %select_n3A_1107 : i32
      %ne3A_1109 = arith.constant 0 : i32
      %ne3A_1110 = arith.cmpi ne, %rem3A_1108, %ne3A_1109 : i32
      %lt3A_1111 = arith.constant 0 : i32
      %lt3A_1112 = arith.cmpi slt, %rem3A_1108, %lt3A_1111 : i32
      %lt3A_1113 = arith.constant 0 : i32
      %lt3A_1114 = arith.cmpi slt, %select_n3A_1107, %lt3A_1113 : i32
      %ne3A_1115 = arith.xori %lt3A_1112, %lt3A_1114 : i1
      %and3A_1116 = arith.andi %ne3A_1115, %ne3A_1110 : i1
      %add3A_1117 = arith.addi %rem3A_1108, %select_n3A_1107 : i32
      %select_n3A_1118 = arith.select %and3A_1116, %add3A_1117, %rem3A_1108 : i32
      %mul3A_1119 = arith.constant 256 : i32
      %mul3A_1120 = arith.muli %select_n3A_1118, %mul3A_1119 : i32
      %jit3A_1121 = arith.constant 128 : i32
      %div3A_1122 = arith.divsi %mul3A_1120, %jit3A_1121 : i32
      %sign3A_1123 = arith.constant 0 : i32
      %sign3A_1124 = arith.cmpi sgt, %mul3A_1120, %sign3A_1123 : i32
      %sign3A_1125 = arith.extui %sign3A_1124 : i1 to i32
      %sign3A_1126 = arith.constant 0 : i32
      %sign3A_1127 = arith.cmpi slt, %mul3A_1120, %sign3A_1126 : i32
      %sign3A_1128 = arith.extui %sign3A_1127 : i1 to i32
      %sign3A_1129 = arith.subi %sign3A_1125, %sign3A_1128 : i32
      %sign3A_1130 = arith.constant 0 : i32
      %sign3A_1131 = arith.cmpi sgt, %jit3A_1121, %sign3A_1130 : i32
      %sign3A_1132 = arith.extui %sign3A_1131 : i1 to i32
      %sign3A_1133 = arith.constant 0 : i32
      %sign3A_1134 = arith.cmpi slt, %jit3A_1121, %sign3A_1133 : i32
      %sign3A_1135 = arith.extui %sign3A_1134 : i1 to i32
      %sign3A_1136 = arith.subi %sign3A_1132, %sign3A_1135 : i32
      %ne3A_1137 = arith.cmpi ne, %sign3A_1129, %sign3A_1136 : i32
      %rem3A_1138 = arith.remsi %mul3A_1120, %jit3A_1121 : i32
      %ne3A_1139 = arith.constant 0 : i32
      %ne3A_1140 = arith.cmpi ne, %rem3A_1138, %ne3A_1139 : i32
      %and3A_1141 = arith.andi %ne3A_1137, %ne3A_1140 : i1
      %sub3A_1142 = arith.constant 1 : i32
      %sub3A_1143 = arith.subi %div3A_1122, %sub3A_1142 : i32
      %select_n3A_1144 = arith.select %and3A_1141, %sub3A_1143, %div3A_1122 : i32
      %add3A_1145 = arith.constant 1 : i32
      %add3A_1146 = arith.addi %select_n3A_1144, %add3A_1145 : i32
      %dma_start3A_1147 = arith.constant 0 : i32
      %dma_start3A_1148 = arith.constant 0 : i32
      %dma_start3A_1149 = arith.constant 128 : i32
      %dma_start3A_1150 = tpu.memref_slice %arg9[%dma_start3A_1147, %dma_start3A_1148, %dma_start3A_1149] : memref<8x8x261xf32, #tpu.memory_space<vmem>> -> memref<8x8x128xf32, #tpu.memory_space<vmem>>
      %dma_start3A_1151 = arith.constant 0 : i32
      %dma_start3A_1152 = arith.constant 0 : i32
      %dma_start3A_1153 = arith.constant 0 : i32
      %dma_start3A_1154 = tpu.memref_slice %arg4[%select_n3A_1101, %dma_start3A_1151, %add3A_1146, %dma_start3A_1152, %dma_start3A_1153] : memref<200x8x32x8x128xf32, #tpu.memory_space<hbm>> -> memref<1x8x1x8x128xf32, #tpu.memory_space<hbm>>
      %dma_start3A_1155 = tpu.memref_squeeze %dma_start3A_1154 : memref<1x8x1x8x128xf32, #tpu.memory_space<hbm>> -> memref<8x8x128xf32, #tpu.memory_space<hbm>>
      %dma_start3A_1156 = arith.constant 0 : i32
      %dma_start3A_1157 = arith.constant 0 : i32
      %dma_start3A_1158 = arith.constant 0 : i32
      %dma_start3A_1159 = tpu.memref_slice %arg4[%select_n3A_1101, %dma_start3A_1156, %add3A_1146, %dma_start3A_1157, %dma_start3A_1158] : memref<200x8x32x8x128xf32, #tpu.memory_space<hbm>> -> memref<1x8x1x8x128xf32, #tpu.memory_space<hbm>>
      %dma_start3A_1160 = tpu.memref_squeeze %dma_start3A_1159 : memref<1x8x1x8x128xf32, #tpu.memory_space<hbm>> -> memref<8x8x128xf32, #tpu.memory_space<hbm>>
      %dma_start3A_1161 = arith.constant 0 : i32
      %dma_start3A_1162 = arith.constant 0 : i32
      %dma_start3A_1163 = arith.constant 128 : i32
      %dma_start3A_1164 = tpu.memref_slice %arg9[%dma_start3A_1161, %dma_start3A_1162, %dma_start3A_1163] : memref<8x8x261xf32, #tpu.memory_space<vmem>> -> memref<8x8x128xf32, #tpu.memory_space<vmem>>
      tpu.enqueue_dma source(%dma_start3A_1164 : memref<8x8x128xf32, #tpu.memory_space<vmem>>) target(%dma_start3A_1160 : memref<8x8x128xf32, #tpu.memory_space<hbm>>) target_semaphore(%arg15 : memref<!tpu.dma_semaphore, #tpu.memory_space<semaphore_mem>>)
    }
    %scan3A_142 = arith.constant 50 : i32
    %dma_wait3A_143 = arith.constant 0 : i32
    %dma_wait3A_144 = arith.constant 0 : i32
    %dma_wait3A_145 = arith.constant 0 : i32
    %dma_wait3A_146 = arith.constant 0 : i32
    %dma_wait3A_147 = arith.constant 0 : i32
    %dma_wait3A_148 = tpu.memref_slice %arg8[%dma_wait3A_145, %dma_wait3A_146, %dma_wait3A_147] : memref<8x8x261xf32, #tpu.memory_space<vmem>> -> memref<8x8x128xf32, #tpu.memory_space<vmem>>
    %dma_wait3A_149 = arith.constant 0 : i32
    %dma_wait3A_150 = arith.constant 0 : i32
    %dma_wait3A_151 = arith.constant 0 : i32
    %dma_wait3A_152 = tpu.memref_slice %arg4[%dma_wait3A_143, %dma_wait3A_149, %dma_wait3A_144, %dma_wait3A_150, %dma_wait3A_151] : memref<200x8x32x8x128xf32, #tpu.memory_space<hbm>> -> memref<1x8x1x8x128xf32, #tpu.memory_space<hbm>>
    %dma_wait3A_153 = tpu.memref_squeeze %dma_wait3A_152 : memref<1x8x1x8x128xf32, #tpu.memory_space<hbm>> -> memref<8x8x128xf32, #tpu.memory_space<hbm>>
    %dma_wait3A_154 = arith.constant 0 : i32
    %dma_wait3A_155 = arith.constant 0 : i32
    %dma_wait3A_156 = arith.constant 0 : i32
    %dma_wait3A_157 = tpu.memref_slice %arg4[%dma_wait3A_143, %dma_wait3A_154, %dma_wait3A_144, %dma_wait3A_155, %dma_wait3A_156] : memref<200x8x32x8x128xf32, #tpu.memory_space<hbm>> -> memref<1x8x1x8x128xf32, #tpu.memory_space<hbm>>
    %dma_wait3A_158 = tpu.memref_squeeze %dma_wait3A_157 : memref<1x8x1x8x128xf32, #tpu.memory_space<hbm>> -> memref<8x8x128xf32, #tpu.memory_space<hbm>>
    %dma_wait3A_159 = arith.constant 0 : i32
    %dma_wait3A_160 = arith.constant 0 : i32
    %dma_wait3A_161 = arith.constant 0 : i32
    %dma_wait3A_162 = tpu.memref_slice %arg8[%dma_wait3A_159, %dma_wait3A_160, %dma_wait3A_161] : memref<8x8x261xf32, #tpu.memory_space<vmem>> -> memref<8x8x128xf32, #tpu.memory_space<vmem>>
    tpu.wait_dma2 semaphore(%arg14 : memref<!tpu.dma_semaphore, #tpu.memory_space<semaphore_mem>>) src(%dma_wait3A_162 : memref<8x8x128xf32, #tpu.memory_space<vmem>>) dst(%dma_wait3A_158 : memref<8x8x128xf32, #tpu.memory_space<hbm>>)
    %dma_wait3A_163 = arith.constant 0 : i32
    %dma_wait3A_164 = arith.constant 1 : i32
    %dma_wait3A_165 = arith.constant 0 : i32
    %dma_wait3A_166 = arith.constant 0 : i32
    %dma_wait3A_167 = arith.constant 128 : i32
    %dma_wait3A_168 = tpu.memref_slice %arg8[%dma_wait3A_165, %dma_wait3A_166, %dma_wait3A_167] : memref<8x8x261xf32, #tpu.memory_space<vmem>> -> memref<8x8x128xf32, #tpu.memory_space<vmem>>
    %dma_wait3A_169 = arith.constant 0 : i32
    %dma_wait3A_170 = arith.constant 0 : i32
    %dma_wait3A_171 = arith.constant 0 : i32
    %dma_wait3A_172 = tpu.memref_slice %arg4[%dma_wait3A_163, %dma_wait3A_169, %dma_wait3A_164, %dma_wait3A_170, %dma_wait3A_171] : memref<200x8x32x8x128xf32, #tpu.memory_space<hbm>> -> memref<1x8x1x8x128xf32, #tpu.memory_space<hbm>>
    %dma_wait3A_173 = tpu.memref_squeeze %dma_wait3A_172 : memref<1x8x1x8x128xf32, #tpu.memory_space<hbm>> -> memref<8x8x128xf32, #tpu.memory_space<hbm>>
    %dma_wait3A_174 = arith.constant 0 : i32
    %dma_wait3A_175 = arith.constant 0 : i32
    %dma_wait3A_176 = arith.constant 0 : i32
    %dma_wait3A_177 = tpu.memref_slice %arg4[%dma_wait3A_163, %dma_wait3A_174, %dma_wait3A_164, %dma_wait3A_175, %dma_wait3A_176] : memref<200x8x32x8x128xf32, #tpu.memory_space<hbm>> -> memref<1x8x1x8x128xf32, #tpu.memory_space<hbm>>
    %dma_wait3A_178 = tpu.memref_squeeze %dma_wait3A_177 : memref<1x8x1x8x128xf32, #tpu.memory_space<hbm>> -> memref<8x8x128xf32, #tpu.memory_space<hbm>>
    %dma_wait3A_179 = arith.constant 0 : i32
    %dma_wait3A_180 = arith.constant 0 : i32
    %dma_wait3A_181 = arith.constant 128 : i32
    %dma_wait3A_182 = tpu.memref_slice %arg8[%dma_wait3A_179, %dma_wait3A_180, %dma_wait3A_181] : memref<8x8x261xf32, #tpu.memory_space<vmem>> -> memref<8x8x128xf32, #tpu.memory_space<vmem>>
    tpu.wait_dma2 semaphore(%arg14 : memref<!tpu.dma_semaphore, #tpu.memory_space<semaphore_mem>>) src(%dma_wait3A_182 : memref<8x8x128xf32, #tpu.memory_space<vmem>>) dst(%dma_wait3A_178 : memref<8x8x128xf32, #tpu.memory_space<hbm>>)
    %dma_wait3A_183 = arith.constant 0 : i32
    %dma_wait3A_184 = arith.constant 0 : i32
    %dma_wait3A_185 = arith.constant 0 : i32
    %dma_wait3A_186 = arith.constant 0 : i32
    %dma_wait3A_187 = arith.constant 0 : i32
    %dma_wait3A_188 = tpu.memref_slice %arg9[%dma_wait3A_185, %dma_wait3A_186, %dma_wait3A_187] : memref<8x8x261xf32, #tpu.memory_space<vmem>> -> memref<8x8x128xf32, #tpu.memory_space<vmem>>
    %dma_wait3A_189 = arith.constant 0 : i32
    %dma_wait3A_190 = arith.constant 0 : i32
    %dma_wait3A_191 = arith.constant 0 : i32
    %dma_wait3A_192 = tpu.memref_slice %arg4[%dma_wait3A_183, %dma_wait3A_189, %dma_wait3A_184, %dma_wait3A_190, %dma_wait3A_191] : memref<200x8x32x8x128xf32, #tpu.memory_space<hbm>> -> memref<1x8x1x8x128xf32, #tpu.memory_space<hbm>>
    %dma_wait3A_193 = tpu.memref_squeeze %dma_wait3A_192 : memref<1x8x1x8x128xf32, #tpu.memory_space<hbm>> -> memref<8x8x128xf32, #tpu.memory_space<hbm>>
    %dma_wait3A_194 = arith.constant 0 : i32
    %dma_wait3A_195 = arith.constant 0 : i32
    %dma_wait3A_196 = arith.constant 0 : i32
    %dma_wait3A_197 = tpu.memref_slice %arg4[%dma_wait3A_183, %dma_wait3A_194, %dma_wait3A_184, %dma_wait3A_195, %dma_wait3A_196] : memref<200x8x32x8x128xf32, #tpu.memory_space<hbm>> -> memref<1x8x1x8x128xf32, #tpu.memory_space<hbm>>
    %dma_wait3A_198 = tpu.memref_squeeze %dma_wait3A_197 : memref<1x8x1x8x128xf32, #tpu.memory_space<hbm>> -> memref<8x8x128xf32, #tpu.memory_space<hbm>>
    %dma_wait3A_199 = arith.constant 0 : i32
    %dma_wait3A_200 = arith.constant 0 : i32
    %dma_wait3A_201 = arith.constant 0 : i32
    %dma_wait3A_202 = tpu.memref_slice %arg9[%dma_wait3A_199, %dma_wait3A_200, %dma_wait3A_201] : memref<8x8x261xf32, #tpu.memory_space<vmem>> -> memref<8x8x128xf32, #tpu.memory_space<vmem>>
    tpu.wait_dma2 semaphore(%arg15 : memref<!tpu.dma_semaphore, #tpu.memory_space<semaphore_mem>>) src(%dma_wait3A_202 : memref<8x8x128xf32, #tpu.memory_space<vmem>>) dst(%dma_wait3A_198 : memref<8x8x128xf32, #tpu.memory_space<hbm>>)
    %dma_wait3A_203 = arith.constant 0 : i32
    %dma_wait3A_204 = arith.constant 1 : i32
    %dma_wait3A_205 = arith.constant 0 : i32
    %dma_wait3A_206 = arith.constant 0 : i32
    %dma_wait3A_207 = arith.constant 128 : i32
    %dma_wait3A_208 = tpu.memref_slice %arg9[%dma_wait3A_205, %dma_wait3A_206, %dma_wait3A_207] : memref<8x8x261xf32, #tpu.memory_space<vmem>> -> memref<8x8x128xf32, #tpu.memory_space<vmem>>
    %dma_wait3A_209 = arith.constant 0 : i32
    %dma_wait3A_210 = arith.constant 0 : i32
    %dma_wait3A_211 = arith.constant 0 : i32
    %dma_wait3A_212 = tpu.memref_slice %arg4[%dma_wait3A_203, %dma_wait3A_209, %dma_wait3A_204, %dma_wait3A_210, %dma_wait3A_211] : memref<200x8x32x8x128xf32, #tpu.memory_space<hbm>> -> memref<1x8x1x8x128xf32, #tpu.memory_space<hbm>>
    %dma_wait3A_213 = tpu.memref_squeeze %dma_wait3A_212 : memref<1x8x1x8x128xf32, #tpu.memory_space<hbm>> -> memref<8x8x128xf32, #tpu.memory_space<hbm>>
    %dma_wait3A_214 = arith.constant 0 : i32
    %dma_wait3A_215 = arith.constant 0 : i32
    %dma_wait3A_216 = arith.constant 0 : i32
    %dma_wait3A_217 = tpu.memref_slice %arg4[%dma_wait3A_203, %dma_wait3A_214, %dma_wait3A_204, %dma_wait3A_215, %dma_wait3A_216] : memref<200x8x32x8x128xf32, #tpu.memory_space<hbm>> -> memref<1x8x1x8x128xf32, #tpu.memory_space<hbm>>
    %dma_wait3A_218 = tpu.memref_squeeze %dma_wait3A_217 : memref<1x8x1x8x128xf32, #tpu.memory_space<hbm>> -> memref<8x8x128xf32, #tpu.memory_space<hbm>>
    %dma_wait3A_219 = arith.constant 0 : i32
    %dma_wait3A_220 = arith.constant 0 : i32
    %dma_wait3A_221 = arith.constant 128 : i32
    %dma_wait3A_222 = tpu.memref_slice %arg9[%dma_wait3A_219, %dma_wait3A_220, %dma_wait3A_221] : memref<8x8x261xf32, #tpu.memory_space<vmem>> -> memref<8x8x128xf32, #tpu.memory_space<vmem>>
    tpu.wait_dma2 semaphore(%arg15 : memref<!tpu.dma_semaphore, #tpu.memory_space<semaphore_mem>>) src(%dma_wait3A_222 : memref<8x8x128xf32, #tpu.memory_space<vmem>>) dst(%dma_wait3A_218 : memref<8x8x128xf32, #tpu.memory_space<hbm>>)
    return
  }
}

</mosaic_0001>

<sc_bundles>
// kernel: kernel.3.cloned.1.call-start
scs
__scs_entry_jumppad:
0x0: {  	(pc) =	sbr.rel $0x88, $3  }
0x1: {  	(tag) =	ssettag $0x0;
	lr =	simm.s32 $0x1  }
0x2: {  	[smem:$0x3F9F] =	sst lr;
	_ =	strace $0xD0000000  }
0x3: {  	_ = 	snop  }
0x4: {  	_ = 	snop  }
0x5: {  	_ = 	snop  }
0x6: {  	_ = 	snop  }
0x7: {  	_ = 	snop  }
__scs_overlays_trampoline_lowered:
0x8: {  	[smem:$0x3FAE] =	sst s0  }
0x9: {  	[smem:$0x3FAF] =	sst s1  }
0xa: {  	[smem:$0x3FB0] =	sst s2  }
0xb: {  	[smem:$0x3FB1] =	sst s3  }
0xc: {  	[smem:$0x3FB2] =	sst s4  }
0xd: {  	[smem:$0x3FB3] =	sst s5  }
0xe: {  	[smem:$0x3FB4] =	sst s6  }
0xf: {  	[smem:$0x3FB5] =	sst s7  }
0x10: {  	[smem:$0x3FB6] =	sst s8  }
0x11: {  	[smem:$0x3FB7] =	sst s9;
	s0 =	simm.s32 @!p0 $0x0  }
0x12: {  	s1 =	sld [smem:$0x3F9D];
	s0 =	simm.s32 @p0 $0x1  }
0x13: {  	[smem:$0x3FB8] =	sst s0;
	s0 =	simm.s32 @!p1 $0x0  }
0x14: {  	s2 =	sld [smem:$0x3F9C];
	s0 =	simm.s32 @p1 $0x1  }
0x15: {  	[smem:$0x3FB9] =	sst s0;
	s0 =	simm.s32 @!p2 $0x0  }
0x16: {  	s3 =	sld [smem:$0x3FDB];
	s0 =	simm.s32 @p2 $0x1  }
0x17: {  	s4 =	simm.s32 $0x1BF5;
	[smem:$0x3FBB] =	sst s0  }
0x18: {  	s0 =	sld [smem:$0x3F9E];
	_ =	swait.ge [sflag:s4], $0x0  }
0x19: {  	s7 =	sld [smem:$0x3F9F]  }
0x1a: {  	s8 =	sadd.s32 $0xFFFFE003, lr  }
0x1b: {  	s9 =	sadd.s32 $0xFFFFFEF7, lr;
	s5 =	simm.s32 $0xFFFFFFFF;
	p2 =	slt.u32 s8, $0xFFFFF086  }
0x1c: {  	p1 =	slt.u32 s9, $0xF7A;
	s5 =	simm.s32 @!p2 $0x0  }
0x1d: {  	s5 =	simm.s32 @p1 $0x1;
	p0 =	seq.s32 s7, s2  }
0x1e: {  	s7 =	smul.u32 @!p0 $0xF7A, s2;
	p2 =	seq.s32 @!p0 s5, $0x0  }
0x1f: {  	s9 =	smul.u32 $0xF7A, s1;
	s8 =	simm.s32 @!p0 $0x1BF5;
	p2 =	por !p2, p0  }
0x20: {  	[sflag:s8] =	ssyncset.s32 @!p0 $0xFFFFF086;
	s6 =	sadd.s32 @!p0 s3, s7;
	s7 =	simm.s32 @!p0 $0x108  }
0x21: {  	s3 =	sadd.s32 s3, s9;
	s6 =	sadd.s32 @!p0 $0x88, s6;
	s7 =	simm.s32 @p2 $0x1082  }
0x22: {  	[simem:s7], [sflag:s8] =	dma.local @!p0 [hbm:s6], $0xF7A  }
0x23: {  	s9 =	sor.u32 $0xD0000000, s2;
	s6 =	simm.s32 $0x108;
	_ =	swait.ge @!p0 [sflag:s8], $0x0  }
0x24: {  	s3 =	sadd.s32 $0x88, s3;
	s6 =	simm.s32 @!p1 $0x1082;
	[sflag:s4] =	ssyncset.s32 $0xFFFFF086  }
0x25: {  	[simem:s6], [sflag:s4] =	dma.local [hbm:s3], $0xF7A  }
0x26: {  	[smem:$0x3F9F] =	sst s1;
	(tag) =	ssettag s2;
	_ =	strace s9  }
0x27: {  	s1 =	sld [smem:$0x3FAF]  }
0x28: {  	s2 =	sld [smem:$0x3FB0]  }
0x29: {  	s4 =	sld [smem:$0x3FB2]  }
0x2a: {  	p0 =	seq.s32 s5, $0x0;
	s5 =	sld [smem:$0x3FB3]  }
0x2b: {  	s6 =	sld [smem:$0x3FB4]  }
0x2c: {  	s7 =	sld [smem:$0x3FB5]  }
0x2d: {  	s3 =	simm.s32 $0x108;
	s8 =	sld [smem:$0x3FB6]  }
0x2e: {  	s3 =	simm.s32 @!p0 $0x1082;
	s9 =	sld [smem:$0x3FB7]  }
0x2f: {  	lr =	sadd.s32 s0, s3;
	s0 =	sld [smem:$0x3FAE]  }
0x30: {  	s3 =	sld [smem:$0x3FB1]  }
0x31: {  	[smem:$0x3FBA] =	sst s10  }
0x32: {  	s10 =	sld [smem:$0x3FB8];
	_ =	sdelay $0x3  }
0x33: {  	p0 =	seq.s32 s10, $0x1;
	s10 =	sld [smem:$0x3FBA];
	_ =	sdelay $0x3  }
0x34: {  	[smem:$0x3FBA] =	sst s10  }
0x35: {  	s10 =	sld [smem:$0x3FB9];
	_ =	sdelay $0x3  }
0x36: {  	p1 =	seq.s32 s10, $0x1;
	s10 =	sld [smem:$0x3FBA];
	_ =	sdelay $0x3  }
0x37: {  	[smem:$0x3FBA] =	sst s10  }
0x38: {  	s10 =	sld [smem:$0x3FBB]  }
0x39: {  	_ = 	snop;
	(pc) =	sbr.ind lr, $3  }
0x3a: {  	_ = 	snop  }
0x3b: {  	_ = 	snop  }
0x3c: {  	p2 =	seq.s32 s10, $0x1;
	s10 =	sld [smem:$0x3FBA]  }
0x3d: {  	_ =	shalt  }
0x3e: {  	_ =	shalt  }
0x3f: {  	_ =	shalt  }
0x40: {  	_ =	shalt  }
0x41: {  	_ =	shalt  }
0x42: {  	_ =	shalt  }
0x43: {  	_ =	shalt  }
0x44: {  	_ =	shalt  }
0x45: {  	_ =	shalt  }
0x46: {  	_ =	shalt  }
0x47: {  	_ =	shalt  }
0x48: {  	_ =	shalt  }
0x49: {  	_ =	shalt  }
0x4a: {  	_ =	shalt  }
0x4b: {  	_ =	shalt  }
0x4c: {  	_ =	shalt  }
0x4d: {  	_ =	shalt  }
0x4e: {  	_ =	shalt  }
0x4f: {  	_ =	shalt  }
0x50: {  	_ =	shalt  }
0x51: {  	_ =	shalt  }
0x52: {  	_ =	shalt  }
0x53: {  	_ =	shalt  }
0x54: {  	_ =	shalt  }
0x55: {  	_ =	shalt  }
0x56: {  	_ =	shalt  }
0x57: {  	_ =	shalt  }
0x58: {  	_ =	shalt  }
0x59: {  	_ =	shalt  }
0x5a: {  	_ =	shalt  }
0x5b: {  	_ =	shalt  }
0x5c: {  	_ =	shalt  }
0x5d: {  	_ =	shalt  }
0x5e: {  	_ =	shalt  }
0x5f: {  	_ =	shalt  }
0x60: {  	_ =	shalt  }
0x61: {  	_ =	shalt  }
0x62: {  	_ =	shalt  }
0x63: {  	_ =	shalt  }
0x64: {  	_ =	shalt  }
0x65: {  	_ =	shalt  }
0x66: {  	_ =	shalt  }
0x67: {  	_ =	shalt  }
0x68: {  	_ =	shalt  }
0x69: {  	_ =	shalt  }
0x6a: {  	_ =	shalt  }
0x6b: {  	_ =	shalt  }
0x6c: {  	_ =	shalt  }
0x6d: {  	_ =	shalt  }
0x6e: {  	_ =	shalt  }
0x6f: {  	_ =	shalt  }
0x70: {  	_ =	shalt  }
0x71: {  	_ =	shalt  }
0x72: {  	_ =	shalt  }
0x73: {  	_ =	shalt  }
0x74: {  	_ =	shalt  }
0x75: {  	_ =	shalt  }
0x76: {  	_ =	shalt  }
0x77: {  	_ =	shalt  }
0x78: {  	_ =	shalt  }
0x79: {  	_ =	shalt  }
0x7a: {  	_ =	shalt  }
0x7b: {  	_ =	shalt  }
0x7c: {  	_ =	shalt  }
0x7d: {  	_ =	shalt  }
0x7e: {  	_ =	shalt  }
0x7f: {  	_ =	shalt  }
0x80: {  	_ =	shalt  }
0x81: {  	_ =	shalt  }
0x82: {  	_ =	shalt  }
0x83: {  	_ =	shalt  }
0x84: {  	_ =	shalt  }
0x85: {  	_ =	shalt  }
0x86: {  	_ =	shalt  }
0x87: {  	_ =	shalt  }
.Lfunc_end0:
.L_simem_size_0:
called_computation_lowered:
.L_overlay_start_0:
0x88: {  	s2 =	sld [smem:$0x3FD9]  }
0x89: {  	s3 =	sld [smem:$0x3FFE];
	_ =	sdelay $0x1  }
0x8a: {  	s1 =	srdreg.scid  }
0x8b: {  	s0 =	sand.u32 $0x1, s1  }
0x8c: {  	s17 =	sshll.u32 s0, $0xA;
	s2 =	sadd.s32 s3, s2  }
0x8d: {  	s2 =	sadd.s32 s2, s17  }
0x8e: {  	[smem:$0x3FC6] =	sst s2  }
0x8f: {  	_ = 	snop  }
0x90: {  	s2 =	sld [smem:$0x3FD0];
	(tm) =	ssettm $0x1  }
0x91: {  	s18 =	sld [smem:$0x3FFB];
	_ =	sdelay $0x3  }
0x92: {  	_ =	strace s18  }
0x93: {  	s3 =	sld [smem:$0x3FFC];
	_ =	sdelay $0x3  }
0x94: {  	_ =	strace s3  }
0x95: {  	s3 =	sld [smem:$0x3FFD];
	_ =	sdelay $0x3  }
0x96: {  	_ =	strace s3  }
0x97: {  	_ =	strace $0x8FFFFFFF  }
0x98: {  	s19 =	sld [smem:$0x3FDB];
	_ =	sdelay $0x1  }
0x99: {  	s4 =	simm.s32 $_scs_section_size  }
0x9a: {  	s5 =	simm.s32 $_size__tile_overlayer_lowered;
	s6 =	simm.s32 $_tile_overlayer_lowered  }
0x9b: {  	s22 =	simm.s32 $0x1BFF;
	s21 =	sshll.u32 s6, $0x1;
	s3 =	sadd.s32 s4, s19  }
0x9c: {  	s7 =	simm.s32 $0x0;
	s20 =	sshll.u32 s5, $0x1;
	s5 =	sadd.s32 s21, s3  }
0x9d: {  	[timem:s7], [sflag:s22] =	dma.local [hbm:s5], s20  }
0x9e: {  	_ =	swait.ge [sflag:s22], s20  }
0x9f: {  	s4 =	ssub.s32 $0x0, s20;
	[sflag:s22] =	ssyncset.done $0x0  }
0xa0: {  	[sflag:s22] =	ssyncadd.s32 s4;
	_ =	sdelay $0x1  }
0xa1: {  	s23 =	simm.s32 $0x1B8B  }
0xa2: {  	_ =	swait.ge [sflag:s23], $0x1  }
0xa3: {  	[sflag:s23] =	ssyncset.done $0x0  }
0xa4: {  	s25 =	simm.s32 $0x1B8E;
	s24 =	sld [smem:$0x3FFE];
	[sflag:s23] =	ssyncadd.s32 $0xFFFFFFFF  }
0xa5: {  	s26 =	simm.s32 $execute0_lowered;
	[smem:$0x3FD2] =	sst s25  }
0xa6: {  	s5 =	sshll.u32 s26, $0x1;
	_ =	strace $0x80000046;
	[dreg:$0x1] =	wrdreg $0xFFFFFFFF  }
0xa7: {  	s28 =	simm.s32 $_size_execute0_lowered;
	s3 =	sadd.s32 s3, s5;
	[dreg:$0x0] =	wrdreg $0x0  }
0xa8: {  	s5 =	sshll.u32 s28, $0x1;
	[dreg:$0x2] =	wrdreg s3  }
0xa9: {  	[dreg:$0x3] =	wrdreg s5  }
0xaa: {  	[dreg:$0x4] =	wrdreg $0xC0  }
0xab: {  	_ =	task [dreg:s7], $0x5FFFF  }
0xac: {  	[dreg:$0x1] =	wrdreg $0xFFFFFFFF  }
0xad: {  	[dreg:$0x0] =	wrdreg $0x60  }
0xae: {  	[dreg:$0x2] =	wrdreg s24  }
0xaf: {  	[dreg:$0x3] =	wrdreg s2  }
0xb0: {  	[dreg:$0x4] =	wrdreg $0x9  }
0xb1: {  	_ =	task.clear_ibuf [dreg:s7], $0x5FFFF;
	_ =	strace $0x90000046  }
0xb2: {  	s29 =	simm.s32 $0x9;
	_ =	strace $0x80000048  }
0xb3: {  	_ =	swait.ge [sflag:s29], $0x1  }
0xb4: {  	[sflag:s29] =	ssyncadd.s32 $0xFFFFFFFF  }
0xb5: {  	_ =	strace $0x90000048  }
0xb6: {  	_ =	sfence  }
0xb7: {  	s30 =	sld [smem:$0x0];
	_ =	sdelay $0x2  }
0xb8: {  	s31 =	sshll.u32 s1, $0xD;
	s1 =	sshrl.u32 s1, $0x2  }
0xb9: {  	s3 =	sand.u32 $0x4000, s31;
	s1 =	sadd.s32 s1, s30  }
0xba: {  	s0 =	sor.u32 s3, s0;
	s1 =	sshll.u32 s1, $0x11  }
0xbb: {  	s0 =	sor.u32 s1, s0  }
0xbc: {  	s0 =	sadd.s32 $0x8F2B, s0  }
0xbd: {  	[sflag:s0] =	ssyncadd.remote.s32 $0x1  }
0xbe: {  	_ =	sfence.sel $0xFFFF  }
0xbf: {  	[dreg:$0x0] =	wrdreg $0xFFFFFFFF;
	(pc) =	sbr.abs _section_cstart, $3  }
0xc0: {  	[dreg:$0x1] =	wrdreg $0xFFFFFFFF  }
0xc1: {  	_ =	task.clear_ibuf [dreg:s7], $0x2FFFF;
	_ =	strace $0x9FFFFFFF  }
0xc2: {  	(tm) =	ssettm $0x7FFFFFFF  }
0xc3: {  	_ =	shalt  }
tec
execute0_lowered:
.L_overlay_start_1:
0x0: {  	(tag) =	ssettag $0x1  }
0x1: {  	s0 =	srdreg.scid;
	s6 =	rddreg [dreg:$0x0]  }
0x2: {  	s1 =	stileid.u32;
	s2 =	rddreg [dreg:$0x1]  }
0x3: {  	s3 =	simm.s32 $0x0;
	s12 =	simm.s32 $0x100;
	s13 =	simm.s32 $0x1  }
0x4: {  	s14 =	simm.s32 $0x80;
	s17 =	simm.s32 $0x2;
	s18 =	simm.s32 $0x3  }
0x5: {  	s19 =	simm.s32 $0x4200;
	s20 =	simm.s32 $0x180;
	s21 =	simm.s32 $0x6200  }
0x6: {  	s22 =	simm.s32 $0x8200;
	s0 =	sand.u32 $0x1, s0;
	s1 =	sshll.u32 s1, $0x1  }
0x7: {  	s23 =	simm.s32 $0x4;
	s24 =	simm.s32 $0xC400;
	s1 =	sor.u32 s0, s1  }
0x8: {  	s25 =	simm.s32 $0x5;
	s26 =	simm.s32 $0x6;
	s4 =	smul.u32 $0x6400, s1  }
0x9: {  	s28 =	simm.s32 $0x0;
	[smem:$0x7FF] =	sst s3;
	s5 =	sshll.u32 s1, $0xA  }
0xa: {  	s0 =	ssub.s32 $0x2, s0;
	s5 =	sand.u32 $0xC00, s5;
	s7 =	sand.u32 $0xFF000, s4  }
0xb: {  	_ =	strace $0x80000047;
	s8 =	sshrl.u32 s0, $0x1;
	s7 =	sor.u32 s5, s7  }
0xc: {  	v0 =	vlaneseq.u32;
	s0 =	ssub.s32 s0, s8;
	s4 =	sadd.s32 $0x600, s6;
	s31 =	sshrl.u32 s7, $0x3  }
0xd: {  	v0 =	vmul.u32 $0x108, v0;
	s0 =	smax.u32 s0, $0x1;
	s5 =	smul.u32 $0x64, s1;
	s7 =	sadd.s32 s4, s31  }
0xe: {  	s6 =	sadd.s32 $0xF42A00, s6;
	[dreg:$0x4] =	wrdreg s0;
	s1 =	sadd.s32 $0x20, s7  }
0xf: {  	v1 =	vadd.s32 $0x1080, v0;
	v2 =	vadd.s32 $0x2100, v0;
	v3 =	vadd.s32 $0x3180, v0;
	s9 =	sor.u32 $0x2, s5;
	s10 =	sor.u32 $0x3, s5;
	[dreg:$0x3] =	wrdreg s1  }
.LBB2_1:
0x10: {  	[tilespmem:s3], [sflag:$0x1] =	stream.linear.gather [hbm4b:s7+s3], $0x100, $0x38;
	[tilespmem:$0x10600] =	vst v63  }
0x11: {  	s0 =	rddreg [dreg:$0x3]  }
0x12: {  	[tilespmem:s12], [sflag:$0x2] =	stream.linear.gather [hbm4b:s0+s3], $0x100, $0x38;
	[tilespmem:$0x10600] =	vst v63  }
0x13: {  	_ =	swait.ge [sflag:s13], $0x100  }
0x14: {  	[sflag:s13] =	ssyncset.done $0x0  }
0x15: {  	s30 =	simm.s32 $0x200;
	[sflag:s13] =	ssyncadd.s32 $0xFFFFFF00  }
0x16: {  	[tilespmem:s30], [sflag:$0x3] =	stream.indirect.gather [hbm4b:s6+s14], $0x40, s3, s14, $0xb8;
	[tilespmem:$0x10600] =	vst v63  }
0x17: {  	s31 =	simm.s32 $0x2200;
	s29 =	simm.s32 $0x0  }
0x18: {  	[tilespmem:s31], [sflag:$0x3] =	stream.indirect.gather [hbm4b:s6+s14], $0x40, s14, s14, $0xb8;
	[tilespmem:$0x10600] =	vst v63  }
.LBB2_2:
0x19: {  	_ =	swait.ge [sflag:s17], $0x100  }
0x1a: {  	[sflag:s17] =	ssyncset.done $0x0  }
0x1b: {  	[sflag:s17] =	ssyncadd.s32 $0xFFFFFF00  }
0x1c: {  	_ =	swait.ge [sflag:s18], $0x2000  }
0x1d: {  	[sflag:s18] =	ssyncset.done $0x0  }
0x1e: {  	[sflag:s18] =	ssyncadd.s32 $0xFFFFE000  }
0x1f: {  	p0 =	seq.s32 s29, $0x31;
	_ =	swait.ge [sflag:s18], $0x2000  }
0x20: {  	s30 =	sshll.u32 s29, $0x1;
	p1 =	seq.s32 @!p0 s29, $0x0;
	[sflag:s18] =	ssyncset.done $0x0  }
0x21: {  	s0 =	sadd.s32 @!p0 s30, s9;
	p1 =	por p0, !p1;
	[sflag:s18] =	ssyncadd.s32 $0xFFFFE000  }
0x22: {  	[tilespmem:s19], [sflag:$0x4] =	stream.indirect.gather [hbm4b:s6+s14], $0x40, s12, s14, $0xb8;
	[tilespmem:$0x10600] =	vst v63  }
.Ltmp0:
0x23: {  	s0 =	sshll.u32 @!p0 s0, $0x5;
	(pc) =	sbr.rel @!p1 .LBB2_3-.Ltmp0, $4  }
0x24: {  	s0 =	sand.u32 @!p0 $0xFFFFFC0, s0  }
0x25: {  	[tilespmem:s21], [sflag:$0x4] =	stream.indirect.gather [hbm4b:s6+s14], $0x40, s20, s14, $0xb8;
	[tilespmem:$0x10600] =	vst v63  }
0x26: {  	s1 =	simm.s32 @!p0 $0x0;
	s0 =	sadd.s32 @!p0 s4, s0  }
0x27: {  	[tilespmem:s1], [sflag:$0x1] =	stream.linear.gather @!p0 [hbm4b:s0+s1], $0x100, $0x38;
	[tilespmem:$0x10600] =	vst v63  }
0x28: {  	_ =	swait.ge [sflag:s25], $0x2000  }
.Ltmp1:
0x29: {  	[sflag:s25] =	ssyncset.done $0x0;
	(pc) =	sbr.rel .LBB2_5-.Ltmp1, $4  }
0x2a: {  	[sflag:s25] =	ssyncadd.s32 $0xFFFFE000  }
0x2b: {  	_ =	swait.ge [sflag:s25], $0x2000  }
0x2c: {  	[sflag:s25] =	ssyncset.done $0x0  }
0x2d: {  	p1 =	por $0x0, $0x0;
	[sflag:s25] =	ssyncadd.s32 $0xFFFFE000  }
.LBB2_3:
0x2e: {  	p1 =	por @!p0 $0x1, $0x1  }
.LBB2_5:
0x2f: {  	s0 =	simm.s32 $0x0  }
0x30: {  	v4 =	vmov s0  }
0x31: {  	s31 =	simm.s32 $0x280;
	v4 =	vand.u32 $0xFC, v4  }
0x32: {  	v5 =	vld [tilespmem:s31+$0xFFFFFF80];
	v6 =	vadd.s32 v0, v4;
	_ =	sdelay $0x4  }
0x33: {  	[tilespmem:v6+s22+$0x0] =	vst.idx.msk $0xffff, v5  }
0x34: {  	v6 =	vadd.s32 v1, v4;
	v5 =	vld [tilespmem:s31+$0xFFFFFF90];
	_ =	sdelay $0x4  }
0x35: {  	[tilespmem:v6+s22+$0x0] =	vst.idx.msk $0xffff, v5  }
0x36: {  	v6 =	vadd.s32 v2, v4;
	v5 =	vld [tilespmem:s31+$0xFFFFFFA0];
	_ =	sdelay $0x4  }
0x37: {  	[tilespmem:v6+s22+$0x0] =	vst.idx.msk $0xffff, v5  }
0x38: {  	v4 =	vadd.s32 v3, v4;
	v5 =	vld [tilespmem:s31+$0xFFFFFFB0];
	_ =	sdelay $0x2  }
0x39: {  	s11 =	simm.s32 $0x1  }
0x3a: {  	v6 =	vmov s11  }
0x3b: {  	[tilespmem:v4+s22+$0x0] =	vst.idx.msk $0xffff, v5;
	v4 =	vand.u32 $0xFD, v6  }
0x3c: {  	v5 =	vld [tilespmem:s31+$0xFFFFFFC0];
	v6 =	vadd.s32 v0, v4;
	_ =	sdelay $0x4  }
0x3d: {  	[tilespmem:v6+s22+$0x0] =	vst.idx.msk $0xffff, v5  }
0x3e: {  	v6 =	vadd.s32 v1, v4;
	v5 =	vld [tilespmem:s31+$0xFFFFFFD0];
	_ =	sdelay $0x4  }
0x3f: {  	[tilespmem:v6+s22+$0x0] =	vst.idx.msk $0xffff, v5  }
0x40: {  	v6 =	vadd.s32 v2, v4;
	v5 =	vld [tilespmem:s31+$0xFFFFFFE0];
	_ =	sdelay $0x4  }
0x41: {  	[tilespmem:v6+s22+$0x0] =	vst.idx.msk $0xffff, v5  }
0x42: {  	v4 =	vadd.s32 v3, v4;
	v5 =	vld [tilespmem:s31+$0xFFFFFFF0];
	_ =	sdelay $0x2  }
0x43: {  	s15 =	simm.s32 $0x2  }
0x44: {  	v6 =	vmov s15  }
0x45: {  	[tilespmem:v4+s22+$0x0] =	vst.idx.msk $0xffff, v5;
	v4 =	vand.u32 $0xFE, v6  }
0x46: {  	v5 =	vld [tilespmem:s31+$0x0];
	v6 =	vadd.s32 v0, v4;
	_ =	sdelay $0x4  }
0x47: {  	[tilespmem:v6+s22+$0x0] =	vst.idx.msk $0xffff, v5  }
0x48: {  	v6 =	vadd.s32 v1, v4;
	v5 =	vld [tilespmem:s31+$0x10];
	_ =	sdelay $0x4  }
0x49: {  	[tilespmem:v6+s22+$0x0] =	vst.idx.msk $0xffff, v5  }
0x4a: {  	v6 =	vadd.s32 v2, v4;
	v5 =	vld [tilespmem:s31+$0x20];
	_ =	sdelay $0x4  }
0x4b: {  	[tilespmem:v6+s22+$0x0] =	vst.idx.msk $0xffff, v5  }
0x4c: {  	v4 =	vadd.s32 v3, v4;
	v5 =	vld [tilespmem:s31+$0x30];
	_ =	sdelay $0x2  }
0x4d: {  	s16 =	simm.s32 $0x3  }
0x4e: {  	v6 =	vmov s16  }
0x4f: {  	[tilespmem:v4+s22+$0x0] =	vst.idx.msk $0xffff, v5;
	v5 =	vand.u32 $0xFF, v6  }
0x50: {  	v4 =	vld [tilespmem:s31+$0x40];
	v6 =	vadd.s32 v0, v5;
	_ =	sdelay $0x4  }
0x51: {  	[tilespmem:v6+s22+$0x0] =	vst.idx.msk $0xffff, v4  }
0x52: {  	v6 =	vadd.s32 v1, v5;
	v4 =	vld [tilespmem:s31+$0x50];
	_ =	sdelay $0x4  }
0x53: {  	[tilespmem:v6+s22+$0x0] =	vst.idx.msk $0xffff, v4  }
0x54: {  	v6 =	vadd.s32 v2, v5;
	v4 =	vld [tilespmem:s31+$0x60];
	_ =	sdelay $0x4  }
0x55: {  	[tilespmem:v6+s22+$0x0] =	vst.idx.msk $0xffff, v4  }
0x56: {  	v5 =	vadd.s32 v3, v5;
	v4 =	vld [tilespmem:s31+$0x70];
	_ =	sdelay $0x2  }
0x57: {  	s1 =	simm.s32 $0x4  }
0x58: {  	s0 =	simm.s32 $0x8;
	v6 =	vmov s1  }
.LBB2_6:
0x59: {  	p2 =	sne.s32 s0, $0xFC;
	v6 =	vand.u32 $0xFC, v6;
	[tilespmem:v5+s22+$0x0] =	vst.idx.msk $0xffff, v4;
	s31 =	sadd.s32 $0x100, s31  }
0x5a: {  	v4 =	vld [tilespmem:s31+$0xFFFFFF80];
	v5 =	vadd.s32 v0, v6;
	_ =	sdelay $0x4  }
0x5b: {  	[tilespmem:v5+s22+$0x0] =	vst.idx.msk $0xffff, v4  }
0x5c: {  	v5 =	vadd.s32 v1, v6;
	v4 =	vld [tilespmem:s31+$0xFFFFFF90];
	_ =	sdelay $0x4  }
0x5d: {  	[tilespmem:v5+s22+$0x0] =	vst.idx.msk $0xffff, v4  }
0x5e: {  	v5 =	vadd.s32 v2, v6;
	v4 =	vld [tilespmem:s31+$0xFFFFFFA0];
	_ =	sdelay $0x4  }
0x5f: {  	[tilespmem:v5+s22+$0x0] =	vst.idx.msk $0xffff, v4  }
0x60: {  	v5 =	vadd.s32 v3, v6;
	v4 =	vld [tilespmem:s31+$0xFFFFFFB0];
	_ =	sdelay $0x2  }
0x61: {  	s8 =	sadd.s32 $0x1, s1  }
0x62: {  	v6 =	vmov s8  }
0x63: {  	[tilespmem:v5+s22+$0x0] =	vst.idx.msk $0xffff, v4;
	v4 =	vand.u32 $0xFD, v6  }
0x64: {  	v5 =	vld [tilespmem:s31+$0xFFFFFFC0];
	v6 =	vadd.s32 v0, v4;
	_ =	sdelay $0x4  }
0x65: {  	[tilespmem:v6+s22+$0x0] =	vst.idx.msk $0xffff, v5  }
0x66: {  	v6 =	vadd.s32 v1, v4;
	v5 =	vld [tilespmem:s31+$0xFFFFFFD0];
	_ =	sdelay $0x4  }
0x67: {  	[tilespmem:v6+s22+$0x0] =	vst.idx.msk $0xffff, v5  }
0x68: {  	v6 =	vadd.s32 v2, v4;
	v5 =	vld [tilespmem:s31+$0xFFFFFFE0];
	_ =	sdelay $0x4  }
0x69: {  	[tilespmem:v6+s22+$0x0] =	vst.idx.msk $0xffff, v5  }
0x6a: {  	v4 =	vadd.s32 v3, v4;
	v5 =	vld [tilespmem:s31+$0xFFFFFFF0];
	_ =	sdelay $0x2  }
0x6b: {  	s8 =	sadd.s32 $0x2, s1  }
0x6c: {  	v6 =	vmov s8  }
0x6d: {  	[tilespmem:v4+s22+$0x0] =	vst.idx.msk $0xffff, v5;
	v4 =	vand.u32 $0xFE, v6  }
0x6e: {  	v5 =	vld [tilespmem:s31+$0x0];
	v6 =	vadd.s32 v0, v4;
	_ =	sdelay $0x4  }
0x6f: {  	[tilespmem:v6+s22+$0x0] =	vst.idx.msk $0xffff, v5  }
0x70: {  	v6 =	vadd.s32 v1, v4;
	v5 =	vld [tilespmem:s31+$0x10];
	_ =	sdelay $0x4  }
0x71: {  	[tilespmem:v6+s22+$0x0] =	vst.idx.msk $0xffff, v5  }
0x72: {  	v6 =	vadd.s32 v2, v4;
	v5 =	vld [tilespmem:s31+$0x20];
	_ =	sdelay $0x4  }
0x73: {  	[tilespmem:v6+s22+$0x0] =	vst.idx.msk $0xffff, v5  }
0x74: {  	v4 =	vadd.s32 v3, v4;
	v5 =	vld [tilespmem:s31+$0x30];
	_ =	sdelay $0x2  }
0x75: {  	s8 =	sadd.s32 $0x3, s1;
	s1 =	smov.u32 s0  }
0x76: {  	v6 =	vmov s8  }
0x77: {  	[tilespmem:v4+s22+$0x0] =	vst.idx.msk $0xffff, v5;
	v5 =	vand.u32 $0xFF, v6  }
0x78: {  	v4 =	vld [tilespmem:s31+$0x40];
	v6 =	vadd.s32 v0, v5;
	_ =	sdelay $0x4  }
0x79: {  	[tilespmem:v6+s22+$0x0] =	vst.idx.msk $0xffff, v4  }
0x7a: {  	v6 =	vadd.s32 v1, v5;
	v4 =	vld [tilespmem:s31+$0x50];
	_ =	sdelay $0x4  }
0x7b: {  	[tilespmem:v6+s22+$0x0] =	vst.idx.msk $0xffff, v4  }
0x7c: {  	v6 =	vadd.s32 v2, v5;
	v4 =	vld [tilespmem:s31+$0x60];
	_ =	sdelay $0x4  }
0x7d: {  	[tilespmem:v6+s22+$0x0] =	vst.idx.msk $0xffff, v4  }
.Ltmp2:
0x7e: {  	v5 =	vadd.s32 v3, v5;
	v4 =	vld [tilespmem:s31+$0x70];
	(pc) =	sbr.rel @p2 .LBB2_6-.Ltmp2, $2  }
0x7f: {  	_ =	sdelay $0x2  }
0x80: {  	s0 =	sadd.s32 $0x4, s0;
	v6 =	vmov s1  }
0x81: {  	_ =	sdelay $0x3  }
0x82: {  	v6 =	vand.u32 $0xFC, v6;
	[tilespmem:v5+s22+$0x0] =	vst.idx.msk $0xffff, v4;
	s0 =	sadd.s32 $0x100, s31  }
0x83: {  	v4 =	vld [tilespmem:s0+$0xFFFFFF80];
	v5 =	vadd.s32 v0, v6;
	_ =	sdelay $0x4  }
0x84: {  	[tilespmem:v5+s22+$0x0] =	vst.idx.msk $0xffff, v4  }
0x85: {  	v5 =	vadd.s32 v1, v6;
	v4 =	vld [tilespmem:s0+$0xFFFFFF90];
	_ =	sdelay $0x4  }
0x86: {  	[tilespmem:v5+s22+$0x0] =	vst.idx.msk $0xffff, v4  }
0x87: {  	v5 =	vadd.s32 v2, v6;
	v4 =	vld [tilespmem:s0+$0xFFFFFFA0];
	_ =	sdelay $0x4  }
0x88: {  	[tilespmem:v5+s22+$0x0] =	vst.idx.msk $0xffff, v4  }
0x89: {  	v5 =	vadd.s32 v3, v6;
	v4 =	vld [tilespmem:s0+$0xFFFFFFB0];
	_ =	sdelay $0x2  }
0x8a: {  	s8 =	sadd.s32 $0x1, s1  }
0x8b: {  	v55 =	vmov s8  }
0x8c: {  	[tilespmem:v5+s22+$0x0] =	vst.idx.msk $0xffff, v4;
	v4 =	vand.u32 $0xFD, v55  }
0x8d: {  	v5 =	vld [tilespmem:s0+$0xFFFFFFC0];
	v6 =	vadd.s32 v0, v4;
	_ =	sdelay $0x4  }
0x8e: {  	[tilespmem:v6+s22+$0x0] =	vst.idx.msk $0xffff, v5  }
0x8f: {  	v56 =	vadd.s32 v1, v4;
	v5 =	vld [tilespmem:s0+$0xFFFFFFD0];
	_ =	sdelay $0x4  }
0x90: {  	[tilespmem:v56+s22+$0x0] =	vst.idx.msk $0xffff, v5  }
0x91: {  	v57 =	vadd.s32 v2, v4;
	v5 =	vld [tilespmem:s0+$0xFFFFFFE0];
	_ =	sdelay $0x4  }
0x92: {  	[tilespmem:v57+s22+$0x0] =	vst.idx.msk $0xffff, v5  }
0x93: {  	v4 =	vadd.s32 v3, v4;
	v5 =	vld [tilespmem:s0+$0xFFFFFFF0];
	_ =	sdelay $0x2  }
0x94: {  	s16 =	sadd.s32 $0x2, s1  }
0x95: {  	v58 =	vmov s16  }
0x96: {  	[tilespmem:v4+s22+$0x0] =	vst.idx.msk $0xffff, v5;
	v4 =	vand.u32 $0xFE, v58  }
0x97: {  	v5 =	vld [tilespmem:s0+$0x0];
	v6 =	vadd.s32 v0, v4;
	_ =	sdelay $0x4  }
0x98: {  	[tilespmem:v6+s22+$0x0] =	vst.idx.msk $0xffff, v5  }
0x99: {  	v59 =	vadd.s32 v1, v4;
	v5 =	vld [tilespmem:s0+$0x10];
	_ =	sdelay $0x4  }
0x9a: {  	[tilespmem:v59+s22+$0x0] =	vst.idx.msk $0xffff, v5  }
0x9b: {  	v60 =	vadd.s32 v2, v4;
	v5 =	vld [tilespmem:s0+$0x20];
	_ =	sdelay $0x4  }
0x9c: {  	[tilespmem:v60+s22+$0x0] =	vst.idx.msk $0xffff, v5  }
0x9d: {  	v4 =	vadd.s32 v3, v4;
	v5 =	vld [tilespmem:s0+$0x30];
	_ =	sdelay $0x2  }
0x9e: {  	s8 =	sadd.s32 $0x3, s1  }
0x9f: {  	v61 =	vmov s8  }
0xa0: {  	[tilespmem:v4+s22+$0x0] =	vst.idx.msk $0xffff, v5;
	v4 =	vand.u32 $0xFF, v61  }
0xa1: {  	v5 =	vld [tilespmem:s0+$0x40];
	v6 =	vadd.s32 v0, v4;
	_ =	sdelay $0x4  }
0xa2: {  	[tilespmem:v6+s22+$0x0] =	vst.idx.msk $0xffff, v5  }
0xa3: {  	v62 =	vadd.s32 v1, v4;
	v5 =	vld [tilespmem:s0+$0x50];
	_ =	sdelay $0x4  }
0xa4: {  	[tilespmem:v62+s22+$0x0] =	vst.idx.msk $0xffff, v5  }
0xa5: {  	v63 =	vadd.s32 v2, v4;
	v5 =	vld [tilespmem:s0+$0x60];
	_ =	sdelay $0x4  }
0xa6: {  	[tilespmem:v63+s22+$0x0] =	vst.idx.msk $0xffff, v5  }
0xa7: {  	s11 =	sadd.s32 s5, s30;
	v4 =	vadd.s32 v3, v4;
	v5 =	vld [tilespmem:s0+$0x70]  }
0xa8: {  	s15 =	sshll.u32 s11, $0xB;
	s0 =	sshll.u32 s11, $0xE  }
0xa9: {  	s1 =	sand.u32 $0x7000, s15;
	s0 =	sand.u32 $0x7FFC0000, s0  }
0xaa: {  	s0 =	sor.u32 s1, s0  }
0xab: {  	s0 =	sshrl.u32 s0, $0x3  }
0xac: {  	s16 =	simm.s32 $0x8200;
	s31 =	sadd.s32 s2, s0;
	[tilespmem:v4+s22+$0x0] =	vst.idx.msk $0xffff, v5  }
0xad: {  	[hbm4b:s31+s3] =	stream.linear.scatter [tilespmem:s16], [sflag:$0x5], $0x80, $0x38;
	[tilespmem:$0x10600] =	vst v63  }
0xae: {  	s8 =	simm.s32 $0x8308;
	s11 =	sadd.s32 $0x10, s31  }
0xaf: {  	[hbm4b:s11+s3] =	stream.linear.scatter [tilespmem:s8], [sflag:$0x5], $0x80, $0x38;
	[tilespmem:$0x10600] =	vst v63  }
0xb0: {  	s15 =	simm.s32 $0x8410;
	s16 =	sadd.s32 $0x20, s31  }
0xb1: {  	[hbm4b:s16+s3] =	stream.linear.scatter [tilespmem:s15], [sflag:$0x5], $0x80, $0x38;
	[tilespmem:$0x10600] =	vst v63  }
0xb2: {  	s8 =	simm.s32 $0x8518;
	s11 =	sadd.s32 $0x30, s31  }
0xb3: {  	[hbm4b:s11+s3] =	stream.linear.scatter [tilespmem:s8], [sflag:$0x5], $0x80, $0x38;
	[tilespmem:$0x10600] =	vst v63  }
0xb4: {  	s15 =	simm.s32 $0x8620;
	s16 =	sadd.s32 $0x40, s31  }
0xb5: {  	[hbm4b:s16+s3] =	stream.linear.scatter [tilespmem:s15], [sflag:$0x5], $0x80, $0x38;
	[tilespmem:$0x10600] =	vst v63  }
0xb6: {  	s1 =	simm.s32 $0x840;
	s8 =	simm.s32 $0x8728;
	s11 =	sadd.s32 $0x50, s31  }
0xb7: {  	[hbm4b:s11+s3] =	stream.linear.scatter [tilespmem:s8], [sflag:$0x5], $0x80, $0x38;
	[tilespmem:$0x10600] =	vst v63  }
0xb8: {  	s15 =	simm.s32 $0x8830;
	s16 =	sadd.s32 $0x60, s31;
	s8 =	sadd.s32 $0x70, s31  }
0xb9: {  	[hbm4b:s16+s3] =	stream.linear.scatter [tilespmem:s15], [sflag:$0x5], $0x80, $0x38;
	[tilespmem:$0x10600] =	vst v63  }
0xba: {  	s31 =	sadd.s32 $0x1000, s31;
	s15 =	simm.s32 $0x4200;
	s16 =	simm.s32 $0x8938  }
.LBB2_8:
0xbb: {  	[hbm4b:s8+s3] =	stream.linear.scatter [tilespmem:s16], [sflag:$0x5], $0x80, $0x38;
	[tilespmem:$0x10600] =	vst v63  }
0xbc: {  	s8 =	smov.u32 s1;
	s1 =	smov.u32 s15  }
0xbd: {  	s11 =	sadd.s32 $0x2100, s15;
	s1 =	sshra.s32 s1, $0x2;
	s16 =	sadd.s32 $0x8200, s8  }
0xbe: {  	[hbm4b:s31+s3] =	stream.linear.scatter [tilespmem:s16], [sflag:$0x5], $0x80, $0x38;
	[tilespmem:$0x10600] =	vst v63  }
0xbf: {  	p2 =	sne.s32 s15, $0xE700;
	s15 =	sadd.s32 $0x8308, s8;
	s16 =	sadd.s32 $0x10, s31  }
0xc0: {  	[hbm4b:s16+s3] =	stream.linear.scatter [tilespmem:s15], [sflag:$0x5], $0x80, $0x38;
	[tilespmem:$0x10600] =	vst v63  }
0xc1: {  	s15 =	sadd.s32 $0x8410, s8;
	s16 =	sadd.s32 $0x20, s31  }
0xc2: {  	[hbm4b:s16+s3] =	stream.linear.scatter [tilespmem:s15], [sflag:$0x5], $0x80, $0x38;
	[tilespmem:$0x10600] =	vst v63  }
0xc3: {  	s15 =	sadd.s32 $0x8518, s8;
	s16 =	sadd.s32 $0x30, s31  }
0xc4: {  	[hbm4b:s16+s3] =	stream.linear.scatter [tilespmem:s15], [sflag:$0x5], $0x80, $0x38;
	[tilespmem:$0x10600] =	vst v63  }
0xc5: {  	s15 =	sadd.s32 $0x8620, s8;
	s16 =	sadd.s32 $0x40, s31  }
0xc6: {  	[hbm4b:s16+s3] =	stream.linear.scatter [tilespmem:s15], [sflag:$0x5], $0x80, $0x38;
	[tilespmem:$0x10600] =	vst v63  }
0xc7: {  	s15 =	sadd.s32 $0x8728, s8;
	s16 =	sadd.s32 $0x50, s31  }
0xc8: {  	[hbm4b:s16+s3] =	stream.linear.scatter [tilespmem:s15], [sflag:$0x5], $0x80, $0x38;
	[tilespmem:$0x10600] =	vst v63  }
.Ltmp3:
0xc9: {  	_ = 	snop;
	(pc) =	sbr.rel @p2 .LBB2_8-.Ltmp3, $4  }
0xca: {  	s15 =	sadd.s32 $0x8830, s8;
	s16 =	sadd.s32 $0x60, s31  }
0xcb: {  	[hbm4b:s16+s3] =	stream.linear.scatter [tilespmem:s15], [sflag:$0x5], $0x80, $0x38;
	[tilespmem:$0x10600] =	vst v63  }
0xcc: {  	s16 =	sadd.s32 $0x8938, s8  }
0xcd: {  	s8 =	sadd.s32 $0x70, s31;
	s31 =	sadd.s32 $0x1000, s31;
	s15 =	smov.u32 s11  }
0xce: {  	[hbm4b:s8+s3] =	stream.linear.scatter [tilespmem:s16], [sflag:$0x5], $0x80, $0x38;
	[tilespmem:$0x10600] =	vst v63  }
0xcf: {  	s15 =	sadd.s32 $0x8200, s1  }
0xd0: {  	[hbm4b:s31+s3] =	stream.linear.scatter [tilespmem:s15], [sflag:$0x5], $0x80, $0x38;
	[tilespmem:$0x10600] =	vst v63  }
0xd1: {  	s16 =	sadd.s32 $0x8308, s1;
	s11 =	sadd.s32 $0x10, s31  }
0xd2: {  	[hbm4b:s11+s3] =	stream.linear.scatter [tilespmem:s16], [sflag:$0x5], $0x80, $0x38;
	[tilespmem:$0x10600] =	vst v63  }
0xd3: {  	s15 =	sadd.s32 $0x8410, s1;
	s16 =	sadd.s32 $0x20, s31  }
0xd4: {  	[hbm4b:s16+s3] =	stream.linear.scatter [tilespmem:s15], [sflag:$0x5], $0x80, $0x38;
	[tilespmem:$0x10600] =	vst v63  }
0xd5: {  	s15 =	sadd.s32 $0x8518, s1;
	s16 =	sadd.s32 $0x30, s31  }
0xd6: {  	[hbm4b:s16+s3] =	stream.linear.scatter [tilespmem:s15], [sflag:$0x5], $0x80, $0x38;
	[tilespmem:$0x10600] =	vst v63  }
0xd7: {  	s15 =	sadd.s32 $0x8620, s1;
	s16 =	sadd.s32 $0x40, s31  }
0xd8: {  	[hbm4b:s16+s3] =	stream.linear.scatter [tilespmem:s15], [sflag:$0x5], $0x80, $0x38;
	[tilespmem:$0x10600] =	vst v63  }
0xd9: {  	s15 =	sadd.s32 $0x8728, s1;
	s16 =	sadd.s32 $0x50, s31  }
0xda: {  	[hbm4b:s16+s3] =	stream.linear.scatter [tilespmem:s15], [sflag:$0x5], $0x80, $0x38;
	[tilespmem:$0x10600] =	vst v63  }
0xdb: {  	s11 =	sadd.s32 $0x8830, s1;
	s15 =	sadd.s32 $0x60, s31  }
0xdc: {  	[hbm4b:s15+s3] =	stream.linear.scatter [tilespmem:s11], [sflag:$0x5], $0x80, $0x38;
	[tilespmem:$0x10600] =	vst v63  }
0xdd: {  	s0 =	sadd.s32 s0, s2;
	s16 =	sadd.s32 $0x8938, s1;
	s31 =	sadd.s32 $0x70, s31  }
0xde: {  	[hbm4b:s31+s3] =	stream.linear.scatter [tilespmem:s16], [sflag:$0x5], $0x80, $0x38;
	[tilespmem:$0x10600] =	vst v63  }
0xdf: {  	s8 =	simm.s32 $0x8280;
	s1 =	sadd.s32 $0x80, s0  }
0xe0: {  	[hbm4b:s1+s3] =	stream.linear.scatter [tilespmem:s8], [sflag:$0x5], $0x80, $0x38;
	[tilespmem:$0x10600] =	vst v63  }
0xe1: {  	s11 =	simm.s32 $0x8388;
	s15 =	sadd.s32 $0x10, s1  }
0xe2: {  	[hbm4b:s15+s3] =	stream.linear.scatter [tilespmem:s11], [sflag:$0x5], $0x80, $0x38;
	[tilespmem:$0x10600] =	vst v63  }
0xe3: {  	s16 =	simm.s32 $0x8490;
	s31 =	sadd.s32 $0x20, s1  }
0xe4: {  	[hbm4b:s31+s3] =	stream.linear.scatter [tilespmem:s16], [sflag:$0x5], $0x80, $0x38;
	[tilespmem:$0x10600] =	vst v63  }
0xe5: {  	s11 =	simm.s32 $0x8598;
	s15 =	sadd.s32 $0x30, s1  }
0xe6: {  	[hbm4b:s15+s3] =	stream.linear.scatter [tilespmem:s11], [sflag:$0x5], $0x80, $0x38;
	[tilespmem:$0x10600] =	vst v63  }
0xe7: {  	s16 =	simm.s32 $0x86A0;
	s31 =	sadd.s32 $0x40, s1  }
0xe8: {  	[hbm4b:s31+s3] =	stream.linear.scatter [tilespmem:s16], [sflag:$0x5], $0x80, $0x38;
	[tilespmem:$0x10600] =	vst v63  }
0xe9: {  	s0 =	simm.s32 $0x840;
	s11 =	simm.s32 $0x87A8;
	s15 =	sadd.s32 $0x50, s1  }
0xea: {  	[hbm4b:s15+s3] =	stream.linear.scatter [tilespmem:s11], [sflag:$0x5], $0x80, $0x38;
	[tilespmem:$0x10600] =	vst v63  }
0xeb: {  	s8 =	sadd.s32 $0x70, s1;
	s16 =	simm.s32 $0x88B0;
	s31 =	sadd.s32 $0x60, s1  }
0xec: {  	[hbm4b:s31+s3] =	stream.linear.scatter [tilespmem:s16], [sflag:$0x5], $0x80, $0x38;
	[tilespmem:$0x10600] =	vst v63  }
0xed: {  	s1 =	sadd.s32 $0x1000, s1;
	s15 =	simm.s32 $0x4200;
	s16 =	simm.s32 $0x89B8  }
.LBB2_10:
0xee: {  	[hbm4b:s8+s3] =	stream.linear.scatter [tilespmem:s16], [sflag:$0x5], $0x80, $0x38;
	[tilespmem:$0x10600] =	vst v63  }
0xef: {  	s8 =	smov.u32 s0;
	s0 =	smov.u32 s15  }
0xf0: {  	s11 =	sadd.s32 $0x2100, s15;
	s0 =	sshra.s32 s0, $0x2;
	s16 =	sadd.s32 $0x8280, s8  }
0xf1: {  	[hbm4b:s1+s3] =	stream.linear.scatter [tilespmem:s16], [sflag:$0x5], $0x80, $0x38;
	[tilespmem:$0x10600] =	vst v63  }
0xf2: {  	p2 =	sne.s32 s15, $0xE700;
	s15 =	sadd.s32 $0x8388, s8;
	s16 =	sadd.s32 $0x10, s1  }
0xf3: {  	[hbm4b:s16+s3] =	stream.linear.scatter [tilespmem:s15], [sflag:$0x5], $0x80, $0x38;
	[tilespmem:$0x10600] =	vst v63  }
0xf4: {  	s15 =	sadd.s32 $0x8490, s8;
	s16 =	sadd.s32 $0x20, s1  }
0xf5: {  	[hbm4b:s16+s3] =	stream.linear.scatter [tilespmem:s15], [sflag:$0x5], $0x80, $0x38;
	[tilespmem:$0x10600] =	vst v63  }
0xf6: {  	s15 =	sadd.s32 $0x8598, s8;
	s16 =	sadd.s32 $0x30, s1  }
0xf7: {  	[hbm4b:s16+s3] =	stream.linear.scatter [tilespmem:s15], [sflag:$0x5], $0x80, $0x38;
	[tilespmem:$0x10600] =	vst v63  }
0xf8: {  	s15 =	sadd.s32 $0x86A0, s8;
	s16 =	sadd.s32 $0x40, s1  }
0xf9: {  	[hbm4b:s16+s3] =	stream.linear.scatter [tilespmem:s15], [sflag:$0x5], $0x80, $0x38;
	[tilespmem:$0x10600] =	vst v63  }
0xfa: {  	s15 =	sadd.s32 $0x87A8, s8;
	s16 =	sadd.s32 $0x50, s1  }
0xfb: {  	[hbm4b:s16+s3] =	stream.linear.scatter [tilespmem:s15], [sflag:$0x5], $0x80, $0x38;
	[tilespmem:$0x10600] =	vst v63  }
.Ltmp4:
0xfc: {  	_ = 	snop;
	(pc) =	sbr.rel @p2 .LBB2_10-.Ltmp4, $4  }
0xfd: {  	s15 =	sadd.s32 $0x88B0, s8;
	s16 =	sadd.s32 $0x60, s1  }
0xfe: {  	[hbm4b:s16+s3] =	stream.linear.scatter [tilespmem:s15], [sflag:$0x5], $0x80, $0x38;
	[tilespmem:$0x10600] =	vst v63  }
0xff: {  	s16 =	sadd.s32 $0x89B8, s8  }
0x100: {  	s8 =	sadd.s32 $0x70, s1;
	s1 =	sadd.s32 $0x1000, s1;
	s15 =	smov.u32 s11  }
0x101: {  	[hbm4b:s8+s3] =	stream.linear.scatter [tilespmem:s16], [sflag:$0x5], $0x80, $0x38;
	[tilespmem:$0x10600] =	vst v63  }
0x102: {  	s15 =	sadd.s32 $0x8280, s0  }
0x103: {  	[hbm4b:s1+s3] =	stream.linear.scatter [tilespmem:s15], [sflag:$0x5], $0x80, $0x38;
	[tilespmem:$0x10600] =	vst v63  }
0x104: {  	s16 =	sadd.s32 $0x8388, s0;
	s11 =	sadd.s32 $0x10, s1  }
0x105: {  	[hbm4b:s11+s3] =	stream.linear.scatter [tilespmem:s16], [sflag:$0x5], $0x80, $0x38;
	[tilespmem:$0x10600] =	vst v63  }
0x106: {  	s15 =	sadd.s32 $0x8490, s0;
	s16 =	sadd.s32 $0x20, s1  }
0x107: {  	[hbm4b:s16+s3] =	stream.linear.scatter [tilespmem:s15], [sflag:$0x5], $0x80, $0x38;
	[tilespmem:$0x10600] =	vst v63  }
0x108: {  	s15 =	sadd.s32 $0x8598, s0;
	s16 =	sadd.s32 $0x30, s1  }
0x109: {  	[hbm4b:s16+s3] =	stream.linear.scatter [tilespmem:s15], [sflag:$0x5], $0x80, $0x38;
	[tilespmem:$0x10600] =	vst v63  }
0x10a: {  	s15 =	sadd.s32 $0x86A0, s0;
	s16 =	sadd.s32 $0x40, s1  }
0x10b: {  	[hbm4b:s16+s3] =	stream.linear.scatter [tilespmem:s15], [sflag:$0x5], $0x80, $0x38;
	[tilespmem:$0x10600] =	vst v63  }
0x10c: {  	s15 =	sadd.s32 $0x87A8, s0;
	s16 =	sadd.s32 $0x50, s1  }
0x10d: {  	[hbm4b:s16+s3] =	stream.linear.scatter [tilespmem:s15], [sflag:$0x5], $0x80, $0x38;
	[tilespmem:$0x10600] =	vst v63  }
0x10e: {  	s15 =	sadd.s32 $0x88B0, s0;
	s16 =	sadd.s32 $0x60, s1  }
0x10f: {  	[hbm4b:s16+s3] =	stream.linear.scatter [tilespmem:s15], [sflag:$0x5], $0x80, $0x38;
	[tilespmem:$0x10600] =	vst v63  }
0x110: {  	s15 =	sadd.s32 $0x89B8, s0;
	s16 =	sadd.s32 $0x70, s1  }
0x111: {  	[hbm4b:s16+s3] =	stream.linear.scatter [tilespmem:s15], [sflag:$0x5], $0x80, $0x38;
	[tilespmem:$0x10600] =	vst v63  }
0x112: {  	_ =	swait.ge [sflag:s23], $0x2000  }
0x113: {  	[sflag:s23] =	ssyncset.done $0x0  }
0x114: {  	s0 =	sadd.s32 @!p0 s30, s10;
	[sflag:s23] =	ssyncadd.s32 $0xFFFFE000  }
0x115: {  	s0 =	sshll.u32 @!p0 s0, $0x5;
	_ =	swait.ge [sflag:s23], $0x2000  }
0x116: {  	s8 =	simm.s32 @!p0 $0x100;
	s0 =	sand.u32 @!p0 $0xFFFFFE0, s0;
	[sflag:s23] =	ssyncset.done $0x0  }
0x117: {  	s1 =	simm.s32 @!p0 $0x0;
	s0 =	sadd.s32 @!p0 s4, s0;
	[sflag:s23] =	ssyncadd.s32 $0xFFFFE000  }
0x118: {  	[tilespmem:s8], [sflag:$0x2] =	stream.linear.gather @!p0 [hbm4b:s0+s1], $0x100, $0x38;
	[tilespmem:$0x10600] =	vst v63  }
0x119: {  	s0 =	simm.s32 @!p0 $0x1  }
0x11a: {  	_ =	swait.ge @!p0 [sflag:s0], $0x100  }
0x11b: {  	[sflag:s0] =	ssyncset.done @!p0 $0x0  }
0x11c: {  	s8 =	simm.s32 @!p0 $0x200;
	[sflag:s0] =	ssyncadd.s32 @!p0 $0xFFFFFF00;
	s0 =	simm.s32 @!p0 $0x80  }
0x11d: {  	[tilespmem:s8], [sflag:$0x3] =	stream.indirect.gather @!p0 [hbm4b:s6+s0], $0x40, s1, s0, $0xb8;
	[tilespmem:$0x10600] =	vst v63  }
0x11e: {  	s1 =	simm.s32 @!p0 $0x2200  }
0x11f: {  	[tilespmem:s1], [sflag:$0x3] =	stream.indirect.gather @!p0 [hbm4b:s6+s0], $0x40, s0, s0, $0xb8;
	[tilespmem:$0x10600] =	vst v63  }
0x120: {  	s0 =	simm.s32 @!p1 $0x6  }
0x121: {  	_ =	swait.ge @!p1 [sflag:s0], $0x2000  }
0x122: {  	[sflag:s0] =	ssyncset.done @!p1 $0x0  }
0x123: {  	[sflag:s0] =	ssyncadd.s32 @!p1 $0xFFFFE000  }
0x124: {  	s8 =	simm.s32 $0x0;
	_ =	swait.ge @!p1 [sflag:s0], $0x2000  }
0x125: {  	v4 =	vmov s8;
	[sflag:s0] =	ssyncset.done @!p1 $0x0  }
0x126: {  	s31 =	simm.s32 $0x4280;
	v4 =	vand.u32 $0xFC, v4;
	[sflag:s0] =	ssyncadd.s32 @!p1 $0xFFFFE000  }
0x127: {  	v6 =	vadd.s32 v0, v4;
	v5 =	vld [tilespmem:s31+$0xFFFFFF80];
	_ =	sdelay $0x4  }
0x128: {  	[tilespmem:v6+s24+$0x0] =	vst.idx.msk $0xffff, v5  }
0x129: {  	v6 =	vadd.s32 v1, v4;
	v5 =	vld [tilespmem:s31+$0xFFFFFF90];
	_ =	sdelay $0x4  }
0x12a: {  	[tilespmem:v6+s24+$0x0] =	vst.idx.msk $0xffff, v5  }
0x12b: {  	v6 =	vadd.s32 v2, v4;
	v5 =	vld [tilespmem:s31+$0xFFFFFFA0];
	_ =	sdelay $0x4  }
0x12c: {  	[tilespmem:v6+s24+$0x0] =	vst.idx.msk $0xffff, v5  }
0x12d: {  	v4 =	vadd.s32 v3, v4;
	v5 =	vld [tilespmem:s31+$0xFFFFFFB0];
	_ =	sdelay $0x2  }
0x12e: {  	s11 =	simm.s32 $0x1  }
0x12f: {  	v6 =	vmov s11  }
0x130: {  	[tilespmem:v4+s24+$0x0] =	vst.idx.msk $0xffff, v5;
	v4 =	vand.u32 $0xFD, v6  }
0x131: {  	v5 =	vld [tilespmem:s31+$0xFFFFFFC0];
	v6 =	vadd.s32 v0, v4;
	_ =	sdelay $0x4  }
0x132: {  	[tilespmem:v6+s24+$0x0] =	vst.idx.msk $0xffff, v5  }
0x133: {  	v6 =	vadd.s32 v1, v4;
	v5 =	vld [tilespmem:s31+$0xFFFFFFD0];
	_ =	sdelay $0x4  }
0x134: {  	[tilespmem:v6+s24+$0x0] =	vst.idx.msk $0xffff, v5  }
0x135: {  	v6 =	vadd.s32 v2, v4;
	v5 =	vld [tilespmem:s31+$0xFFFFFFE0];
	_ =	sdelay $0x4  }
0x136: {  	[tilespmem:v6+s24+$0x0] =	vst.idx.msk $0xffff, v5  }
0x137: {  	v4 =	vadd.s32 v3, v4;
	v5 =	vld [tilespmem:s31+$0xFFFFFFF0];
	_ =	sdelay $0x2  }
0x138: {  	s15 =	simm.s32 $0x2  }
0x139: {  	v6 =	vmov s15  }
0x13a: {  	[tilespmem:v4+s24+$0x0] =	vst.idx.msk $0xffff, v5;
	v4 =	vand.u32 $0xFE, v6  }
0x13b: {  	v5 =	vld [tilespmem:s31+$0x0];
	v6 =	vadd.s32 v0, v4;
	_ =	sdelay $0x4  }
0x13c: {  	[tilespmem:v6+s24+$0x0] =	vst.idx.msk $0xffff, v5  }
0x13d: {  	v6 =	vadd.s32 v1, v4;
	v5 =	vld [tilespmem:s31+$0x10];
	_ =	sdelay $0x4  }
0x13e: {  	[tilespmem:v6+s24+$0x0] =	vst.idx.msk $0xffff, v5  }
0x13f: {  	v6 =	vadd.s32 v2, v4;
	v5 =	vld [tilespmem:s31+$0x20];
	_ =	sdelay $0x4  }
0x140: {  	[tilespmem:v6+s24+$0x0] =	vst.idx.msk $0xffff, v5  }
0x141: {  	v4 =	vadd.s32 v3, v4;
	v5 =	vld [tilespmem:s31+$0x30];
	_ =	sdelay $0x2  }
0x142: {  	s16 =	simm.s32 $0x3  }
0x143: {  	v6 =	vmov s16  }
0x144: {  	[tilespmem:v4+s24+$0x0] =	vst.idx.msk $0xffff, v5;
	v5 =	vand.u32 $0xFF, v6  }
0x145: {  	v4 =	vld [tilespmem:s31+$0x40];
	v6 =	vadd.s32 v0, v5;
	_ =	sdelay $0x4  }
0x146: {  	[tilespmem:v6+s24+$0x0] =	vst.idx.msk $0xffff, v4  }
0x147: {  	v6 =	vadd.s32 v1, v5;
	v4 =	vld [tilespmem:s31+$0x50];
	_ =	sdelay $0x4  }
0x148: {  	[tilespmem:v6+s24+$0x0] =	vst.idx.msk $0xffff, v4  }
0x149: {  	v6 =	vadd.s32 v2, v5;
	v4 =	vld [tilespmem:s31+$0x60];
	_ =	sdelay $0x4  }
0x14a: {  	[tilespmem:v6+s24+$0x0] =	vst.idx.msk $0xffff, v4  }
0x14b: {  	v5 =	vadd.s32 v3, v5;
	v4 =	vld [tilespmem:s31+$0x70];
	_ =	sdelay $0x2  }
0x14c: {  	s1 =	simm.s32 $0x4  }
0x14d: {  	s0 =	simm.s32 $0x8;
	v6 =	vmov s1  }
.LBB2_12:
0x14e: {  	p0 =	sne.s32 s0, $0xFC;
	v6 =	vand.u32 $0xFC, v6;
	[tilespmem:v5+s24+$0x0] =	vst.idx.msk $0xffff, v4;
	s31 =	sadd.s32 $0x100, s31  }
0x14f: {  	v4 =	vld [tilespmem:s31+$0xFFFFFF80];
	v5 =	vadd.s32 v0, v6;
	_ =	sdelay $0x4  }
0x150: {  	[tilespmem:v5+s24+$0x0] =	vst.idx.msk $0xffff, v4  }
0x151: {  	v5 =	vadd.s32 v1, v6;
	v4 =	vld [tilespmem:s31+$0xFFFFFF90];
	_ =	sdelay $0x4  }
0x152: {  	[tilespmem:v5+s24+$0x0] =	vst.idx.msk $0xffff, v4  }
0x153: {  	v5 =	vadd.s32 v2, v6;
	v4 =	vld [tilespmem:s31+$0xFFFFFFA0];
	_ =	sdelay $0x4  }
0x154: {  	[tilespmem:v5+s24+$0x0] =	vst.idx.msk $0xffff, v4  }
0x155: {  	v5 =	vadd.s32 v3, v6;
	v4 =	vld [tilespmem:s31+$0xFFFFFFB0];
	_ =	sdelay $0x2  }
0x156: {  	s8 =	sadd.s32 $0x1, s1  }
0x157: {  	v6 =	vmov s8  }
0x158: {  	[tilespmem:v5+s24+$0x0] =	vst.idx.msk $0xffff, v4;
	v4 =	vand.u32 $0xFD, v6  }
0x159: {  	v5 =	vld [tilespmem:s31+$0xFFFFFFC0];
	v6 =	vadd.s32 v0, v4;
	_ =	sdelay $0x4  }
0x15a: {  	[tilespmem:v6+s24+$0x0] =	vst.idx.msk $0xffff, v5  }
0x15b: {  	v6 =	vadd.s32 v1, v4;
	v5 =	vld [tilespmem:s31+$0xFFFFFFD0];
	_ =	sdelay $0x4  }
0x15c: {  	[tilespmem:v6+s24+$0x0] =	vst.idx.msk $0xffff, v5  }
0x15d: {  	v6 =	vadd.s32 v2, v4;
	v5 =	vld [tilespmem:s31+$0xFFFFFFE0];
	_ =	sdelay $0x4  }
0x15e: {  	[tilespmem:v6+s24+$0x0] =	vst.idx.msk $0xffff, v5  }
0x15f: {  	v4 =	vadd.s32 v3, v4;
	v5 =	vld [tilespmem:s31+$0xFFFFFFF0];
	_ =	sdelay $0x2  }
0x160: {  	s8 =	sadd.s32 $0x2, s1  }
0x161: {  	v6 =	vmov s8  }
0x162: {  	[tilespmem:v4+s24+$0x0] =	vst.idx.msk $0xffff, v5;
	v4 =	vand.u32 $0xFE, v6  }
0x163: {  	v5 =	vld [tilespmem:s31+$0x0];
	v6 =	vadd.s32 v0, v4;
	_ =	sdelay $0x4  }
0x164: {  	[tilespmem:v6+s24+$0x0] =	vst.idx.msk $0xffff, v5  }
0x165: {  	v6 =	vadd.s32 v1, v4;
	v5 =	vld [tilespmem:s31+$0x10];
	_ =	sdelay $0x4  }
0x166: {  	[tilespmem:v6+s24+$0x0] =	vst.idx.msk $0xffff, v5  }
0x167: {  	v6 =	vadd.s32 v2, v4;
	v5 =	vld [tilespmem:s31+$0x20];
	_ =	sdelay $0x4  }
0x168: {  	[tilespmem:v6+s24+$0x0] =	vst.idx.msk $0xffff, v5  }
0x169: {  	v4 =	vadd.s32 v3, v4;
	v5 =	vld [tilespmem:s31+$0x30];
	_ =	sdelay $0x2  }
0x16a: {  	s8 =	sadd.s32 $0x3, s1;
	s1 =	smov.u32 s0  }
0x16b: {  	v6 =	vmov s8  }
0x16c: {  	[tilespmem:v4+s24+$0x0] =	vst.idx.msk $0xffff, v5;
	v5 =	vand.u32 $0xFF, v6  }
0x16d: {  	v4 =	vld [tilespmem:s31+$0x40];
	v6 =	vadd.s32 v0, v5;
	_ =	sdelay $0x4  }
0x16e: {  	[tilespmem:v6+s24+$0x0] =	vst.idx.msk $0xffff, v4  }
0x16f: {  	v6 =	vadd.s32 v1, v5;
	v4 =	vld [tilespmem:s31+$0x50];
	_ =	sdelay $0x4  }
0x170: {  	[tilespmem:v6+s24+$0x0] =	vst.idx.msk $0xffff, v4  }
0x171: {  	v6 =	vadd.s32 v2, v5;
	v4 =	vld [tilespmem:s31+$0x60];
	_ =	sdelay $0x4  }
0x172: {  	[tilespmem:v6+s24+$0x0] =	vst.idx.msk $0xffff, v4  }
.Ltmp5:
0x173: {  	v5 =	vadd.s32 v3, v5;
	v4 =	vld [tilespmem:s31+$0x70];
	(pc) =	sbr.rel @p0 .LBB2_12-.Ltmp5, $2  }
0x174: {  	_ =	sdelay $0x2  }
0x175: {  	s0 =	sadd.s32 $0x4, s0;
	v6 =	vmov s1  }
0x176: {  	_ =	sdelay $0x3  }
0x177: {  	v6 =	vand.u32 $0xFC, v6;
	[tilespmem:v5+s24+$0x0] =	vst.idx.msk $0xffff, v4;
	s0 =	sadd.s32 $0x100, s31  }
0x178: {  	v4 =	vld [tilespmem:s0+$0xFFFFFF80];
	v5 =	vadd.s32 v0, v6;
	_ =	sdelay $0x4  }
0x179: {  	[tilespmem:v5+s24+$0x0] =	vst.idx.msk $0xffff, v4  }
0x17a: {  	v5 =	vadd.s32 v1, v6;
	v4 =	vld [tilespmem:s0+$0xFFFFFF90];
	_ =	sdelay $0x4  }
0x17b: {  	[tilespmem:v5+s24+$0x0] =	vst.idx.msk $0xffff, v4  }
0x17c: {  	v5 =	vadd.s32 v2, v6;
	v4 =	vld [tilespmem:s0+$0xFFFFFFA0];
	_ =	sdelay $0x4  }
0x17d: {  	[tilespmem:v5+s24+$0x0] =	vst.idx.msk $0xffff, v4  }
0x17e: {  	v5 =	vadd.s32 v3, v6;
	v4 =	vld [tilespmem:s0+$0xFFFFFFB0];
	_ =	sdelay $0x2  }
0x17f: {  	s8 =	sadd.s32 $0x1, s1  }
0x180: {  	v55 =	vmov s8  }
0x181: {  	[tilespmem:v5+s24+$0x0] =	vst.idx.msk $0xffff, v4;
	v4 =	vand.u32 $0xFD, v55  }
0x182: {  	v5 =	vld [tilespmem:s0+$0xFFFFFFC0];
	v6 =	vadd.s32 v0, v4;
	_ =	sdelay $0x4  }
0x183: {  	[tilespmem:v6+s24+$0x0] =	vst.idx.msk $0xffff, v5  }
0x184: {  	v56 =	vadd.s32 v1, v4;
	v5 =	vld [tilespmem:s0+$0xFFFFFFD0];
	_ =	sdelay $0x4  }
0x185: {  	[tilespmem:v56+s24+$0x0] =	vst.idx.msk $0xffff, v5  }
0x186: {  	v57 =	vadd.s32 v2, v4;
	v5 =	vld [tilespmem:s0+$0xFFFFFFE0];
	_ =	sdelay $0x4  }
0x187: {  	[tilespmem:v57+s24+$0x0] =	vst.idx.msk $0xffff, v5  }
0x188: {  	v4 =	vadd.s32 v3, v4;
	v5 =	vld [tilespmem:s0+$0xFFFFFFF0];
	_ =	sdelay $0x2  }
0x189: {  	s31 =	sadd.s32 $0x2, s1  }
0x18a: {  	v58 =	vmov s31  }
0x18b: {  	[tilespmem:v4+s24+$0x0] =	vst.idx.msk $0xffff, v5;
	v4 =	vand.u32 $0xFE, v58  }
0x18c: {  	v5 =	vld [tilespmem:s0+$0x0];
	v6 =	vadd.s32 v0, v4;
	_ =	sdelay $0x4  }
0x18d: {  	[tilespmem:v6+s24+$0x0] =	vst.idx.msk $0xffff, v5  }
0x18e: {  	v59 =	vadd.s32 v1, v4;
	v5 =	vld [tilespmem:s0+$0x10];
	_ =	sdelay $0x4  }
0x18f: {  	[tilespmem:v59+s24+$0x0] =	vst.idx.msk $0xffff, v5  }
0x190: {  	v60 =	vadd.s32 v2, v4;
	v5 =	vld [tilespmem:s0+$0x20];
	_ =	sdelay $0x4  }
0x191: {  	[tilespmem:v60+s24+$0x0] =	vst.idx.msk $0xffff, v5  }
0x192: {  	v4 =	vadd.s32 v3, v4;
	v5 =	vld [tilespmem:s0+$0x30];
	_ =	sdelay $0x2  }
0x193: {  	s11 =	sadd.s32 $0x3, s1  }
0x194: {  	v61 =	vmov s11  }
0x195: {  	[tilespmem:v4+s24+$0x0] =	vst.idx.msk $0xffff, v5;
	v4 =	vand.u32 $0xFF, v61  }
0x196: {  	v5 =	vld [tilespmem:s0+$0x40];
	v6 =	vadd.s32 v0, v4;
	_ =	sdelay $0x4  }
0x197: {  	[tilespmem:v6+s24+$0x0] =	vst.idx.msk $0xffff, v5  }
0x198: {  	v62 =	vadd.s32 v1, v4;
	v5 =	vld [tilespmem:s0+$0x50];
	_ =	sdelay $0x4  }
0x199: {  	[tilespmem:v62+s24+$0x0] =	vst.idx.msk $0xffff, v5  }
0x19a: {  	v63 =	vadd.s32 v2, v4;
	v5 =	vld [tilespmem:s0+$0x60];
	_ =	sdelay $0x4  }
0x19b: {  	s15 =	sadd.s32 s30, s5;
	[tilespmem:v63+s24+$0x0] =	vst.idx.msk $0xffff, v5  }
0x19c: {  	s16 =	sadd.s32 $0x1, s15;
	v4 =	vadd.s32 v3, v4;
	v5 =	vld [tilespmem:s0+$0x70]  }
0x19d: {  	s1 =	sshll.u32 s16, $0xB;
	s0 =	sshll.u32 s16, $0xE  }
0x19e: {  	s1 =	sand.u32 $0x7800, s1;
	s0 =	sand.u32 $0x7FFC0000, s0  }
0x19f: {  	s0 =	sor.u32 s1, s0  }
0x1a0: {  	s0 =	sshrl.u32 s0, $0x3  }
0x1a1: {  	s31 =	simm.s32 $0xC400;
	s11 =	sadd.s32 s2, s0;
	[tilespmem:v4+s24+$0x0] =	vst.idx.msk $0xffff, v5  }
0x1a2: {  	[hbm4b:s11+s3] =	stream.linear.scatter [tilespmem:s31], [sflag:$0x6], $0x80, $0x38;
	[tilespmem:$0x10600] =	vst v63  }
0x1a3: {  	s8 =	simm.s32 $0xC508;
	s15 =	sadd.s32 $0x10, s11  }
0x1a4: {  	[hbm4b:s15+s3] =	stream.linear.scatter [tilespmem:s8], [sflag:$0x6], $0x80, $0x38;
	[tilespmem:$0x10600] =	vst v63  }
0x1a5: {  	s16 =	simm.s32 $0xC610;
	s31 =	sadd.s32 $0x20, s11  }
0x1a6: {  	[hbm4b:s31+s3] =	stream.linear.scatter [tilespmem:s16], [sflag:$0x6], $0x80, $0x38;
	[tilespmem:$0x10600] =	vst v63  }
0x1a7: {  	s8 =	simm.s32 $0xC718;
	s15 =	sadd.s32 $0x30, s11  }
0x1a8: {  	[hbm4b:s15+s3] =	stream.linear.scatter [tilespmem:s8], [sflag:$0x6], $0x80, $0x38;
	[tilespmem:$0x10600] =	vst v63  }
0x1a9: {  	s16 =	simm.s32 $0xC820;
	s31 =	sadd.s32 $0x40, s11  }
0x1aa: {  	[hbm4b:s31+s3] =	stream.linear.scatter [tilespmem:s16], [sflag:$0x6], $0x80, $0x38;
	[tilespmem:$0x10600] =	vst v63  }
0x1ab: {  	s1 =	simm.s32 $0x840;
	s8 =	simm.s32 $0xC928;
	s15 =	sadd.s32 $0x50, s11  }
0x1ac: {  	[hbm4b:s15+s3] =	stream.linear.scatter [tilespmem:s8], [sflag:$0x6], $0x80, $0x38;
	[tilespmem:$0x10600] =	vst v63  }
0x1ad: {  	s30 =	sadd.s32 $0x1000, s11;
	s16 =	simm.s32 $0xCA30;
	s31 =	sadd.s32 $0x60, s11  }
0x1ae: {  	[hbm4b:s31+s3] =	stream.linear.scatter [tilespmem:s16], [sflag:$0x6], $0x80, $0x38;
	[tilespmem:$0x10600] =	vst v63  }
0x1af: {  	s15 =	simm.s32 $0x4200;
	s8 =	sadd.s32 $0x70, s11;
	s16 =	simm.s32 $0xCB38  }
.LBB2_14:
0x1b0: {  	[hbm4b:s8+s3] =	stream.linear.scatter [tilespmem:s16], [sflag:$0x6], $0x80, $0x38;
	[tilespmem:$0x10600] =	vst v63  }
0x1b1: {  	s8 =	smov.u32 s1;
	s1 =	smov.u32 s15  }
0x1b2: {  	s11 =	sadd.s32 $0x2100, s15;
	s1 =	sshra.s32 s1, $0x2;
	s16 =	sadd.s32 $0xC400, s8  }
0x1b3: {  	[hbm4b:s30+s3] =	stream.linear.scatter [tilespmem:s16], [sflag:$0x6], $0x80, $0x38;
	[tilespmem:$0x10600] =	vst v63  }
0x1b4: {  	p0 =	sne.s32 s15, $0xE700;
	s15 =	sadd.s32 $0xC508, s8;
	s16 =	sadd.s32 $0x10, s30  }
0x1b5: {  	[hbm4b:s16+s3] =	stream.linear.scatter [tilespmem:s15], [sflag:$0x6], $0x80, $0x38;
	[tilespmem:$0x10600] =	vst v63  }
0x1b6: {  	s15 =	sadd.s32 $0xC610, s8;
	s16 =	sadd.s32 $0x20, s30  }
0x1b7: {  	[hbm4b:s16+s3] =	stream.linear.scatter [tilespmem:s15], [sflag:$0x6], $0x80, $0x38;
	[tilespmem:$0x10600] =	vst v63  }
0x1b8: {  	s15 =	sadd.s32 $0xC718, s8;
	s16 =	sadd.s32 $0x30, s30  }
0x1b9: {  	[hbm4b:s16+s3] =	stream.linear.scatter [tilespmem:s15], [sflag:$0x6], $0x80, $0x38;
	[tilespmem:$0x10600] =	vst v63  }
0x1ba: {  	s15 =	sadd.s32 $0xC820, s8;
	s16 =	sadd.s32 $0x40, s30  }
0x1bb: {  	[hbm4b:s16+s3] =	stream.linear.scatter [tilespmem:s15], [sflag:$0x6], $0x80, $0x38;
	[tilespmem:$0x10600] =	vst v63  }
0x1bc: {  	s15 =	sadd.s32 $0xC928, s8;
	s16 =	sadd.s32 $0x50, s30  }
0x1bd: {  	[hbm4b:s16+s3] =	stream.linear.scatter [tilespmem:s15], [sflag:$0x6], $0x80, $0x38;
	[tilespmem:$0x10600] =	vst v63  }
.Ltmp6:
0x1be: {  	_ = 	snop;
	(pc) =	sbr.rel @p0 .LBB2_14-.Ltmp6, $4  }
0x1bf: {  	s15 =	sadd.s32 $0xCA30, s8;
	s16 =	sadd.s32 $0x60, s30  }
0x1c0: {  	[hbm4b:s16+s3] =	stream.linear.scatter [tilespmem:s15], [sflag:$0x6], $0x80, $0x38;
	[tilespmem:$0x10600] =	vst v63  }
0x1c1: {  	s16 =	sadd.s32 $0xCB38, s8  }
0x1c2: {  	s8 =	sadd.s32 $0x70, s30;
	s30 =	sadd.s32 $0x1000, s30;
	s15 =	smov.u32 s11  }
0x1c3: {  	[hbm4b:s8+s3] =	stream.linear.scatter [tilespmem:s16], [sflag:$0x6], $0x80, $0x38;
	[tilespmem:$0x10600] =	vst v63  }
0x1c4: {  	s16 =	sadd.s32 $0xC400, s1  }
0x1c5: {  	[hbm4b:s30+s3] =	stream.linear.scatter [tilespmem:s16], [sflag:$0x6], $0x80, $0x38;
	[tilespmem:$0x10600] =	vst v63  }
0x1c6: {  	s31 =	sadd.s32 $0xC508, s1;
	s11 =	sadd.s32 $0x10, s30  }
0x1c7: {  	[hbm4b:s11+s3] =	stream.linear.scatter [tilespmem:s31], [sflag:$0x6], $0x80, $0x38;
	[tilespmem:$0x10600] =	vst v63  }
0x1c8: {  	s15 =	sadd.s32 $0x20, s30;
	s11 =	sadd.s32 $0xC610, s1  }
0x1c9: {  	[hbm4b:s15+s3] =	stream.linear.scatter [tilespmem:s11], [sflag:$0x6], $0x80, $0x38;
	[tilespmem:$0x10600] =	vst v63  }
0x1ca: {  	s16 =	sadd.s32 $0xC718, s1;
	s31 =	sadd.s32 $0x30, s30  }
0x1cb: {  	[hbm4b:s31+s3] =	stream.linear.scatter [tilespmem:s16], [sflag:$0x6], $0x80, $0x38;
	[tilespmem:$0x10600] =	vst v63  }
0x1cc: {  	s11 =	sadd.s32 $0xC820, s1;
	s15 =	sadd.s32 $0x40, s30  }
0x1cd: {  	[hbm4b:s15+s3] =	stream.linear.scatter [tilespmem:s11], [sflag:$0x6], $0x80, $0x38;
	[tilespmem:$0x10600] =	vst v63  }
0x1ce: {  	s16 =	sadd.s32 $0xC928, s1;
	s31 =	sadd.s32 $0x50, s30  }
0x1cf: {  	[hbm4b:s31+s3] =	stream.linear.scatter [tilespmem:s16], [sflag:$0x6], $0x80, $0x38;
	[tilespmem:$0x10600] =	vst v63  }
0x1d0: {  	s11 =	sadd.s32 $0xCA30, s1;
	s15 =	sadd.s32 $0x60, s30  }
0x1d1: {  	[hbm4b:s15+s3] =	stream.linear.scatter [tilespmem:s11], [sflag:$0x6], $0x80, $0x38;
	[tilespmem:$0x10600] =	vst v63  }
0x1d2: {  	s0 =	sadd.s32 s0, s2;
	s30 =	sadd.s32 $0x70, s30;
	s16 =	sadd.s32 $0xCB38, s1  }
0x1d3: {  	[hbm4b:s30+s3] =	stream.linear.scatter [tilespmem:s16], [sflag:$0x6], $0x80, $0x38;
	[tilespmem:$0x10600] =	vst v63  }
0x1d4: {  	s1 =	sadd.s32 $0x80, s0;
	s31 =	simm.s32 $0xC480  }
0x1d5: {  	[hbm4b:s1+s3] =	stream.linear.scatter [tilespmem:s31], [sflag:$0x6], $0x80, $0x38;
	[tilespmem:$0x10600] =	vst v63  }
0x1d6: {  	s8 =	simm.s32 $0xC588;
	s11 =	sadd.s32 $0x10, s1  }
0x1d7: {  	[hbm4b:s11+s3] =	stream.linear.scatter [tilespmem:s8], [sflag:$0x6], $0x80, $0x38;
	[tilespmem:$0x10600] =	vst v63  }
0x1d8: {  	s0 =	simm.s32 $0x840;
	s15 =	simm.s32 $0xC690;
	s16 =	sadd.s32 $0x20, s1  }
0x1d9: {  	[hbm4b:s16+s3] =	stream.linear.scatter [tilespmem:s15], [sflag:$0x6], $0x80, $0x38;
	[tilespmem:$0x10600] =	vst v63  }
0x1da: {  	s30 =	simm.s32 $0xC798;
	s31 =	sadd.s32 $0x30, s1;
	s8 =	simm.s32 $0xC8A0  }
0x1db: {  	[hbm4b:s31+s3] =	stream.linear.scatter [tilespmem:s30], [sflag:$0x6], $0x80, $0x38;
	[tilespmem:$0x10600] =	vst v63  }
0x1dc: {  	s11 =	sadd.s32 $0x40, s1;
	s15 =	simm.s32 $0xC9A8;
	s16 =	sadd.s32 $0x50, s1  }
0x1dd: {  	[hbm4b:s11+s3] =	stream.linear.scatter [tilespmem:s8], [sflag:$0x6], $0x80, $0x38;
	[tilespmem:$0x10600] =	vst v63  }
0x1de: {  	s30 =	simm.s32 $0xCAB0;
	s31 =	sadd.s32 $0x60, s1;
	s8 =	sadd.s32 $0x70, s1  }
0x1df: {  	[hbm4b:s16+s3] =	stream.linear.scatter [tilespmem:s15], [sflag:$0x6], $0x80, $0x38;
	[tilespmem:$0x10600] =	vst v63  }
0x1e0: {  	s1 =	sadd.s32 $0x1000, s1;
	s15 =	simm.s32 $0x4200;
	s16 =	simm.s32 $0xCBB8  }
0x1e1: {  	[hbm4b:s31+s3] =	stream.linear.scatter [tilespmem:s30], [sflag:$0x6], $0x80, $0x38;
	[tilespmem:$0x10600] =	vst v63  }
.LBB2_16:
0x1e2: {  	[hbm4b:s8+s3] =	stream.linear.scatter [tilespmem:s16], [sflag:$0x6], $0x80, $0x38;
	[tilespmem:$0x10600] =	vst v63  }
0x1e3: {  	s8 =	smov.u32 s0;
	s0 =	smov.u32 s15  }
0x1e4: {  	s11 =	sadd.s32 $0x2100, s15;
	s0 =	sshra.s32 s0, $0x2;
	s16 =	sadd.s32 $0xC480, s8  }
0x1e5: {  	[hbm4b:s1+s3] =	stream.linear.scatter [tilespmem:s16], [sflag:$0x6], $0x80, $0x38;
	[tilespmem:$0x10600] =	vst v63  }
0x1e6: {  	p0 =	sne.s32 s15, $0xE700;
	s15 =	sadd.s32 $0xC588, s8;
	s16 =	sadd.s32 $0x10, s1  }
0x1e7: {  	[hbm4b:s16+s3] =	stream.linear.scatter [tilespmem:s15], [sflag:$0x6], $0x80, $0x38;
	[tilespmem:$0x10600] =	vst v63  }
0x1e8: {  	s15 =	sadd.s32 $0xC690, s8;
	s16 =	sadd.s32 $0x20, s1  }
0x1e9: {  	[hbm4b:s16+s3] =	stream.linear.scatter [tilespmem:s15], [sflag:$0x6], $0x80, $0x38;
	[tilespmem:$0x10600] =	vst v63  }
0x1ea: {  	s15 =	sadd.s32 $0xC798, s8;
	s16 =	sadd.s32 $0x30, s1  }
0x1eb: {  	[hbm4b:s16+s3] =	stream.linear.scatter [tilespmem:s15], [sflag:$0x6], $0x80, $0x38;
	[tilespmem:$0x10600] =	vst v63  }
0x1ec: {  	s15 =	sadd.s32 $0xC8A0, s8;
	s16 =	sadd.s32 $0x40, s1  }
0x1ed: {  	[hbm4b:s16+s3] =	stream.linear.scatter [tilespmem:s15], [sflag:$0x6], $0x80, $0x38;
	[tilespmem:$0x10600] =	vst v63  }
0x1ee: {  	s15 =	sadd.s32 $0xC9A8, s8;
	s16 =	sadd.s32 $0x50, s1  }
0x1ef: {  	[hbm4b:s16+s3] =	stream.linear.scatter [tilespmem:s15], [sflag:$0x6], $0x80, $0x38;
	[tilespmem:$0x10600] =	vst v63  }
.Ltmp7:
0x1f0: {  	_ = 	snop;
	(pc) =	sbr.rel @p0 .LBB2_16-.Ltmp7, $4  }
0x1f1: {  	s15 =	sadd.s32 $0xCAB0, s8;
	s16 =	sadd.s32 $0x60, s1  }
0x1f2: {  	[hbm4b:s16+s3] =	stream.linear.scatter [tilespmem:s15], [sflag:$0x6], $0x80, $0x38;
	[tilespmem:$0x10600] =	vst v63  }
0x1f3: {  	s16 =	sadd.s32 $0xCBB8, s8  }
0x1f4: {  	s8 =	sadd.s32 $0x70, s1;
	s1 =	sadd.s32 $0x1000, s1;
	s15 =	smov.u32 s11  }
0x1f5: {  	[hbm4b:s8+s3] =	stream.linear.scatter [tilespmem:s16], [sflag:$0x6], $0x80, $0x38;
	[tilespmem:$0x10600] =	vst v63  }
0x1f6: {  	s30 =	sadd.s32 $0xC480, s0  }
0x1f7: {  	[hbm4b:s1+s3] =	stream.linear.scatter [tilespmem:s30], [sflag:$0x6], $0x80, $0x38;
	[tilespmem:$0x10600] =	vst v63  }
0x1f8: {  	s31 =	sadd.s32 $0xC588, s0;
	s11 =	sadd.s32 $0x10, s1  }
0x1f9: {  	[hbm4b:s11+s3] =	stream.linear.scatter [tilespmem:s31], [sflag:$0x6], $0x80, $0x38;
	[tilespmem:$0x10600] =	vst v63  }
0x1fa: {  	s15 =	sadd.s32 $0xC690, s0;
	s16 =	sadd.s32 $0x20, s1  }
0x1fb: {  	[hbm4b:s16+s3] =	stream.linear.scatter [tilespmem:s15], [sflag:$0x6], $0x80, $0x38;
	[tilespmem:$0x10600] =	vst v63  }
0x1fc: {  	s30 =	sadd.s32 $0xC798, s0;
	s31 =	sadd.s32 $0x30, s1  }
0x1fd: {  	[hbm4b:s31+s3] =	stream.linear.scatter [tilespmem:s30], [sflag:$0x6], $0x80, $0x38;
	[tilespmem:$0x10600] =	vst v63  }
0x1fe: {  	s29 =	sadd.s32 $0x1, s29;
	s15 =	sadd.s32 $0xC8A0, s0;
	s16 =	sadd.s32 $0x40, s1  }
0x1ff: {  	[hbm4b:s16+s3] =	stream.linear.scatter [tilespmem:s15], [sflag:$0x6], $0x80, $0x38;
	[tilespmem:$0x10600] =	vst v63  }
0x200: {  	p0 =	sne.s32 s29, $0x32;
	s30 =	sadd.s32 $0xC9A8, s0;
	s31 =	sadd.s32 $0x50, s1  }
0x201: {  	[hbm4b:s31+s3] =	stream.linear.scatter [tilespmem:s30], [sflag:$0x6], $0x80, $0x38;
	[tilespmem:$0x10600] =	vst v63  }
.Ltmp8:
0x202: {  	_ = 	snop;
	(pc) =	sbr.rel @p0 .LBB2_2-.Ltmp8, $4  }
0x203: {  	s15 =	sadd.s32 $0xCAB0, s0;
	s16 =	sadd.s32 $0x60, s1  }
0x204: {  	[hbm4b:s16+s3] =	stream.linear.scatter [tilespmem:s15], [sflag:$0x6], $0x80, $0x38;
	[tilespmem:$0x10600] =	vst v63  }
0x205: {  	s30 =	sadd.s32 $0xCBB8, s0;
	s31 =	sadd.s32 $0x70, s1  }
0x206: {  	[hbm4b:s31+s3] =	stream.linear.scatter [tilespmem:s30], [sflag:$0x6], $0x80, $0x38;
	[tilespmem:$0x10600] =	vst v63  }
0x207: {  	_ =	swait.ge [sflag:s25], $0x2000  }
0x208: {  	[sflag:s25] =	ssyncset.done $0x0  }
0x209: {  	[sflag:s25] =	ssyncadd.s32 $0xFFFFE000  }
0x20a: {  	_ =	swait.ge [sflag:s25], $0x2000  }
0x20b: {  	[sflag:s25] =	ssyncset.done $0x0  }
0x20c: {  	[sflag:s25] =	ssyncadd.s32 $0xFFFFE000  }
0x20d: {  	_ =	swait.ge [sflag:s26], $0x2000  }
0x20e: {  	[sflag:s26] =	ssyncset.done $0x0  }
0x20f: {  	[sflag:s26] =	ssyncadd.s32 $0xFFFFE000  }
0x210: {  	_ =	swait.ge [sflag:s26], $0x2000  }
0x211: {  	s28 =	sadd.s32 $0x1, s28;
	s0 =	rddreg [dreg:$0x4]  }
0x212: {  	p0 =	sne.s32 s28, s0  }
.Ltmp9:
0x213: {  	_ = 	snop;
	(pc) =	sbr.rel @p0 .LBB2_1-.Ltmp9, $3  }
0x214: {  	_ =	sdelay $0x1  }
0x215: {  	[sflag:s26] =	ssyncset.done $0x0  }
0x216: {  	[sflag:s26] =	ssyncadd.s32 $0xFFFFE000  }
0x217: {  	_ =	sfence.sel $0x180000  }
0x218: {  	[bflag:$0x0] =	sbarrier.arrive $0xFFFF  }
0x219: {  	_ =	strace $0x90000047  }
0x21a: {  	s0 =	stileid.u32;
	[bflag:$0x2] =	sbarrier.arrive $0xFFFF  }
0x21b: {  	p0 =	sne.s32 s0, $0x0;
	s0 =	rddreg [dreg:$0x2]  }
0x21c: {  	s0 =	sadd.s32 @!p0 $0x100000, s0  }
0x21d: {  	[sflag:s0] =	ssyncadd.tile.s32 @!p0 $0x1;
	_ =	shalt  }
.Lfunc_end2:
_tile_overlayer_lowered:
.L_overlay_start_2:
0x21e: {  	(tag) =	ssettag $0x2  }
0x21f: {  	s0 =	rddreg [dreg:$0x0];
	s2 =	stileid.u32  }
0x220: {  	s1 =	rddreg [dreg:$0x1];
	p0 =	sne.s32 s2, $0x0  }
0x221: {  	s3 =	rddreg [dreg:$0x2];
	[bflag:$0x3] =	sbarrier.arrive $0xFFFF;
	s2 =	simm.s32 @!p0 $0x1C07  }
0x222: {  	[timem:s3], [sflag:s2] =	dma.local @!p0 [hbm:s0], s1  }
0x223: {  	s0 =	simm.s32 @!p0 $0x7  }
0x224: {  	_ =	swait.ge @!p0 [sflag:s0], s1  }
0x225: {  	s1 =	ssub.s32 @!p0 $0x0, s1;
	[sflag:s0] =	ssyncset.done @!p0 $0x0  }
0x226: {  	[sflag:s0] =	ssyncadd.s32 @!p0 s1  }
0x227: {  	[bflag:$0x3] =	sbarrier.arrive $0xFFFF  }
0x228: {  	_ =	shalt  }

</sc_bundles>
